<compile_context>
chip_gen: v7x
topology: tpu7x:2x2x1
jax: 0.10.2.dev20260603
libtpu: 0.0.44.dev20260713+nightly
codegen_flags: <defaults>
</compile_context>

<pallas_src>
import functools

import jax
import jax.numpy as jnp
import numpy as np
from jax import lax
from jax.experimental import pallas as pl
from jax.experimental.pallas import tpu as pltpu
from jax.experimental.pallas import tpu_sc as plsc

_RATIO = 0.75
_B, _N, _D = 64, 577, 768
_REMAIN = int(_N * (1 - _RATIO))

_NC, _NS = 2, 16
_NW = _NC * _NS
_ROWS = _B * _REMAIN
_RPW = _ROWS // _NW
_CHUNK = 48
_NCHUNK = _RPW // _CHUNK
_NBUF = 3

_U32 = np.uint32


def _threefry2x32(k1, k2, x0, x1):
    rot_a = (13, 15, 26, 6)
    rot_b = (17, 29, 16, 24)
    ks0, ks1 = _U32(k1), _U32(k2)
    ks2 = ks0 ^ ks1 ^ _U32(0x1BD11BDA)
    x0 = (x0 + ks0).astype(_U32)
    x1 = (x1 + ks1).astype(_U32)

    def rnd(x0, x1, r):
        x0 = (x0 + x1).astype(_U32)
        x1 = ((x1 << _U32(r)) | (x1 >> _U32(32 - r))).astype(_U32)
        return x0, x0 ^ x1

    for ks_a, ks_b, i, rots in (
        (ks1, ks2, 1, rot_a), (ks2, ks0, 2, rot_b), (ks0, ks1, 3, rot_a),
        (ks1, ks2, 4, rot_b), (ks2, ks0, 5, rot_a),
    ):
        for r in rots:
            x0, x1 = rnd(x0, x1, r)
        x0 = (x0 + ks_a).astype(_U32)
        x1 = (x1 + ks_b + _U32(i)).astype(_U32)
    return x0, x1


def _np_split(key, num):
    b1, b2 = _threefry2x32(key[0], key[1],
                           np.zeros(num, dtype=_U32), np.arange(num, dtype=_U32))
    return np.stack([b1, b2], axis=-1)


def _np_permutation(key, n):
    _, subkey = _np_split(key, 2)
    b1, b2 = _threefry2x32(subkey[0], subkey[1],
                           np.zeros(n, dtype=_U32), np.arange(n, dtype=_U32))
    return np.argsort(b1 ^ b2, kind="stable").astype(np.int32)


def _make_index_constants():
    keys = _np_split(np.array([0, 42], dtype=_U32), _B)
    fwd = np.zeros((_B, _N), dtype=np.int32)
    for b in range(_B):
        fwd[b, 1:] = _np_permutation(keys[b], _N - 1) + 1
    bwd = np.argsort(fwd, axis=1, kind="stable").astype(np.int32)
    return fwd, bwd


_FWD_NP, _BWD_NP = _make_index_constants()
_BATCH_OF_ROW = np.repeat(np.arange(_B, dtype=np.int32), _REMAIN)
_IDX_NP = (
    (_FWD_NP[:, :_REMAIN].astype(np.int32).reshape(-1) * _B + _BATCH_OF_ROW)
    .reshape(_NW, _NCHUNK, _CHUNK)
)
_FB_NP = np.stack([_FWD_NP, _BWD_NP])

_MESH = plsc.VectorSubcoreMesh(core_axis_name="c", subcore_axis_name="s")


@functools.partial(
    pl.kernel,
    mesh=_MESH,
    out_type=(
        jax.ShapeDtypeStruct((_ROWS, _D), jnp.float32),
        jax.ShapeDtypeStruct((_B, _N), jnp.int32),
        jax.ShapeDtypeStruct((_B, _N), jnp.int32),
    ),
    scratch_types=(
        [pltpu.VMEM((_NCHUNK, _CHUNK), jnp.int32)]
        + [pltpu.VMEM((_CHUNK, _D), jnp.float32) for _ in range(_NBUF)]
        + [pltpu.SemaphoreType.DMA for _ in range(2 * _NBUF + 1)]
    ),
)
def _gather_rows(table_hbm, idx_hbm, fb_hbm, out_hbm, fwd_hbm, bwd_hbm,
                 idx_v, *scratch):
    wid = lax.axis_index("s") * _NC + lax.axis_index("c")
    base = wid * _RPW
    bufs = scratch[:_NBUF]
    gsems = scratch[_NBUF:2 * _NBUF]
    ssems = scratch[2 * _NBUF:3 * _NBUF]
    fbsem = scratch[3 * _NBUF]

    @pl.when(wid == 0)
    def _():
        pltpu.async_copy(fb_hbm.at[0], fwd_hbm, fbsem)

    @pl.when(wid == 1)
    def _():
        pltpu.async_copy(fb_hbm.at[1], bwd_hbm, fbsem)

    pltpu.sync_copy(idx_hbm.at[wid], idx_v)

    def start_gather(k):
        return pltpu.async_copy(
            table_hbm.at[idx_v.at[k]], bufs[k % _NBUF], gsems[k % _NBUF])

    def start_store(k):
        return pltpu.async_copy(
            bufs[k % _NBUF], out_hbm.at[pl.ds(base + k * _CHUNK, _CHUNK)],
            ssems[k % _NBUF])

    gathers = [None] * _NCHUNK
    scatters = [None] * _NCHUNK
    for k in range(min(_NBUF, _NCHUNK)):
        gathers[k] = start_gather(k)
    for k in range(_NCHUNK):
        gathers[k].wait()
        scatters[k] = start_store(k)
        if k + _NBUF < _NCHUNK:
            scatters[k].wait()
            gathers[k + _NBUF] = start_gather(k + _NBUF)
    for k in range(max(0, _NCHUNK - _NBUF), _NCHUNK):
        scatters[k].wait()

    @pl.when(wid == 0)
    def _():
        pltpu.make_async_copy(fb_hbm.at[0], fwd_hbm, fbsem).wait()

    @pl.when(wid == 1)
    def _():
        pltpu.make_async_copy(fb_hbm.at[1], bwd_hbm, fbsem).wait()


def kernel(patches):
    B, N, D = patches.shape
    table = jnp.transpose(patches, (1, 0, 2)).reshape(N * B, D)
    out_flat, fwd, bwd = _gather_rows(
        table, jnp.asarray(_IDX_NP), jnp.asarray(_FB_NP))
    out = out_flat.reshape(B, _REMAIN, D)
    return out, fwd, bwd

# --- scband reference (transcript-rebuilt; emitter-appended) ---
"""Pipeline reference for scband-patch-shuffle-3994319585872 (READ-ONLY COPY).

The authoritative reference and input builder live on the scoring server;
editing this copy changes nothing except your own understanding.
"""

import jax, jax.numpy as jnp
import numpy as np

RATIO = 0.75


def setup_inputs(seed: int = 0) -> dict:
    key = jax.random.key(seed)
    patches = jax.random.normal(key, (64, 577, 768), dtype=jnp.float32)
    return {"patches": patches}


def reference(patches):
    B, N, D = patches.shape
    remain_patches = int(N * (1 - RATIO))
    # Deterministic stand-in for torch.randperm per batch element:
    # first index is always 0 (cls token), rest is a random permutation of 1..N-1.
    base_key = jax.random.key(42)
    keys = jax.random.split(base_key, B)

    def one_perm(k):
        p = jax.random.permutation(k, N - 1)
        return jnp.concatenate([jnp.zeros((1,), dtype=p.dtype), p + 1])

    forward_indexes = jax.vmap(one_perm)(keys)  # (B, N) int32
    backward_indexes = jnp.argsort(forward_indexes, axis=1)
    # take_indexes: gather along token dim, broadcast over feature dim
    shuffled = jnp.take_along_axis(patches, forward_indexes[:, :, None], axis=1)
    out = shuffled[:, :remain_patches, :]
    return (out, forward_indexes, backward_indexes)

if __name__ == "__main__":
    import jax
    _d = setup_inputs()
    print(jax.jit(kernel)(*tuple(_d.values())))

</pallas_src>

<mosaic_0001>
#map = affine_map<(d0, d1) -> (0, 0)>
#map1 = affine_map<(d0, d1) -> (0, 0, 0)>
module attributes {stable_mosaic.version = 14 : i64} {
  func.func @_gather_rows(%arg0: i32, %arg1: i32, %arg2: memref<36928x768xf32, #tpu.memory_space<hbm>>, %arg3: memref<32x6x48xi32, #tpu.memory_space<hbm>>, %arg4: memref<2x64x577xi32, #tpu.memory_space<hbm>>, %arg5: memref<9216x768xf32, #tpu.memory_space<hbm>>, %arg6: memref<64x577xi32, #tpu.memory_space<hbm>>, %arg7: memref<64x577xi32, #tpu.memory_space<hbm>>, %arg8: memref<6x48xi32, #tpu.memory_space<vmem>>, %arg9: memref<48x768xf32, #tpu.memory_space<vmem>>, %arg10: memref<48x768xf32, #tpu.memory_space<vmem>>, %arg11: memref<48x768xf32, #tpu.memory_space<vmem>>, %arg12: memref<!tpu.dma_semaphore, #tpu.memory_space<semaphore_mem>>, %arg13: memref<!tpu.dma_semaphore, #tpu.memory_space<semaphore_mem>>, %arg14: memref<!tpu.dma_semaphore, #tpu.memory_space<semaphore_mem>>, %arg15: memref<!tpu.dma_semaphore, #tpu.memory_space<semaphore_mem>>, %arg16: memref<!tpu.dma_semaphore, #tpu.memory_space<semaphore_mem>>, %arg17: memref<!tpu.dma_semaphore, #tpu.memory_space<semaphore_mem>>, %arg18: memref<!tpu.dma_semaphore, #tpu.memory_space<semaphore_mem>>) attributes {dimension_semantics = [#tpu.dimension_semantics<core_parallel>, #tpu.dimension_semantics<subcore_parallel>], iteration_bounds = array<i64: 2, 16>, scalar_prefetch = 0 : i64, scratch_operands = 11 : i64, tpu.core_type = #tpu.core_type<sc_vector_subcore>, window_params = [{transform_indices = #map}, {transform_indices = #map1}, {transform_indices = #map1}, {transform_indices = #map}, {transform_indices = #map}, {transform_indices = #map}]} {
    %mul3A = arith.constant 2 : i32
    %mul3A_0 = arith.muli %arg1, %mul3A : i32
    %add3A = arith.addi %mul3A_0, %arg0 : i32
    %mul3A_1 = arith.constant 288 : i32
    %mul3A_2 = arith.muli %add3A, %mul3A_1 : i32
    %eq3A = arith.constant 0 : i32
    %eq3A_3 = arith.cmpi eq, %add3A, %eq3A : i32
    %convert_element_type3A = arith.extui %eq3A_3 : i1 to i32
    %cond3A = arith.constant 0 : i32
    %cond3A_4 = arith.cmpi ne, %convert_element_type3A, %cond3A : i32
    scf.if %cond3A_4 {
      %dma_start3A_162 = arith.constant 0 : i32
      %dma_start3A_163 = arith.constant 0 : i32
      %dma_start3A_164 = arith.constant 0 : i32
      %dma_start3A_165 = tpu.memref_slice %arg4[%dma_start3A_162, %dma_start3A_163, %dma_start3A_164] : memref<2x64x577xi32, #tpu.memory_space<hbm>> -> memref<1x64x577xi32, #tpu.memory_space<hbm>>
      %dma_start3A_166 = tpu.memref_squeeze %dma_start3A_165 : memref<1x64x577xi32, #tpu.memory_space<hbm>> -> memref<64x577xi32, #tpu.memory_space<hbm>>
      tpu.enqueue_dma source(%dma_start3A_166 : memref<64x577xi32, #tpu.memory_space<hbm>>) target(%arg6 : memref<64x577xi32, #tpu.memory_space<hbm>>) target_semaphore(%arg18 : memref<!tpu.dma_semaphore, #tpu.memory_space<semaphore_mem>>)
    } else {
    }
    %eq3A_5 = arith.constant 1 : i32
    %eq3A_6 = arith.cmpi eq, %add3A, %eq3A_5 : i32
    %convert_element_type3A_7 = arith.extui %eq3A_6 : i1 to i32
    %cond3A_8 = arith.constant 0 : i32
    %cond3A_9 = arith.cmpi ne, %convert_element_type3A_7, %cond3A_8 : i32
    scf.if %cond3A_9 {
      %dma_start3A_162 = arith.constant 1 : i32
      %dma_start3A_163 = arith.constant 0 : i32
      %dma_start3A_164 = arith.constant 0 : i32
      %dma_start3A_165 = tpu.memref_slice %arg4[%dma_start3A_162, %dma_start3A_163, %dma_start3A_164] : memref<2x64x577xi32, #tpu.memory_space<hbm>> -> memref<1x64x577xi32, #tpu.memory_space<hbm>>
      %dma_start3A_166 = tpu.memref_squeeze %dma_start3A_165 : memref<1x64x577xi32, #tpu.memory_space<hbm>> -> memref<64x577xi32, #tpu.memory_space<hbm>>
      tpu.enqueue_dma source(%dma_start3A_166 : memref<64x577xi32, #tpu.memory_space<hbm>>) target(%arg7 : memref<64x577xi32, #tpu.memory_space<hbm>>) target_semaphore(%arg18 : memref<!tpu.dma_semaphore, #tpu.memory_space<semaphore_mem>>)
    } else {
    }
    "tpu.region"() ({
      %run_scoped3A = tpu.sem_alloc : memref<!tpu.dma_semaphore, #tpu.memory_space<semaphore_mem>>
      %dma_start3A_162 = arith.constant 0 : i32
      %dma_start3A_163 = arith.constant 0 : i32
      %dma_start3A_164 = tpu.memref_slice %arg3[%add3A, %dma_start3A_162, %dma_start3A_163] : memref<32x6x48xi32, #tpu.memory_space<hbm>> -> memref<1x6x48xi32, #tpu.memory_space<hbm>>
      %dma_start3A_165 = tpu.memref_squeeze %dma_start3A_164 : memref<1x6x48xi32, #tpu.memory_space<hbm>> -> memref<6x48xi32, #tpu.memory_space<hbm>>
      %dma_start3A_166 = arith.constant 0 : i32
      %dma_start3A_167 = arith.constant 0 : i32
      %dma_start3A_168 = tpu.memref_slice %arg3[%add3A, %dma_start3A_166, %dma_start3A_167] : memref<32x6x48xi32, #tpu.memory_space<hbm>> -> memref<1x6x48xi32, #tpu.memory_space<hbm>>
      %dma_start3A_169 = tpu.memref_squeeze %dma_start3A_168 : memref<1x6x48xi32, #tpu.memory_space<hbm>> -> memref<6x48xi32, #tpu.memory_space<hbm>>
      tpu.enqueue_dma source(%dma_start3A_169 : memref<6x48xi32, #tpu.memory_space<hbm>>) target(%arg8 : memref<6x48xi32, #tpu.memory_space<vmem>>) target_semaphore(%run_scoped3A : memref<!tpu.dma_semaphore, #tpu.memory_space<semaphore_mem>>)
      %dma_wait3A_170 = arith.constant 0 : i32
      %dma_wait3A_171 = arith.constant 0 : i32
      %dma_wait3A_172 = tpu.memref_slice %arg3[%add3A, %dma_wait3A_170, %dma_wait3A_171] : memref<32x6x48xi32, #tpu.memory_space<hbm>> -> memref<1x6x48xi32, #tpu.memory_space<hbm>>
      %dma_wait3A_173 = tpu.memref_squeeze %dma_wait3A_172 : memref<1x6x48xi32, #tpu.memory_space<hbm>> -> memref<6x48xi32, #tpu.memory_space<hbm>>
      %dma_wait3A_174 = arith.constant 0 : i32
      %dma_wait3A_175 = arith.constant 0 : i32
      %dma_wait3A_176 = tpu.memref_slice %arg3[%add3A, %dma_wait3A_174, %dma_wait3A_175] : memref<32x6x48xi32, #tpu.memory_space<hbm>> -> memref<1x6x48xi32, #tpu.memory_space<hbm>>
      %dma_wait3A_177 = tpu.memref_squeeze %dma_wait3A_176 : memref<1x6x48xi32, #tpu.memory_space<hbm>> -> memref<6x48xi32, #tpu.memory_space<hbm>>
      tpu.wait_dma2 semaphore(%run_scoped3A : memref<!tpu.dma_semaphore, #tpu.memory_space<semaphore_mem>>) src(%dma_wait3A_177 : memref<6x48xi32, #tpu.memory_space<hbm>>) dst(%arg8 : memref<6x48xi32, #tpu.memory_space<vmem>>)
      tpu.yield
    }) : () -> ()
    %dma_start3A = arith.constant 0 : i32
    %dma_start3A_10 = arith.constant 0 : i32
    %dma_start3A_11 = tpu.memref_slice %arg8[%dma_start3A, %dma_start3A_10] : memref<6x48xi32, #tpu.memory_space<vmem>> -> memref<1x48xi32, #tpu.memory_space<vmem>>
    %dma_start3A_12 = tpu.memref_squeeze %dma_start3A_11 : memref<1x48xi32, #tpu.memory_space<vmem>> -> memref<48xi32, #tpu.memory_space<vmem>>
    %dma_start3A_13 = arith.constant 0 : i32
    %dma_start3A_14 = arith.constant 0 : i32
    %dma_start3A_15 = tpu.memref_slice %arg2[%dma_start3A_13, %dma_start3A_14] : memref<36928x768xf32, #tpu.memory_space<hbm>> -> memref<36928x768xf32, #tpu.memory_space<hbm>>
    tpu.enqueue_indirect_dma source(%dma_start3A_15 : memref<36928x768xf32, #tpu.memory_space<hbm>>) target(%arg9 : memref<48x768xf32, #tpu.memory_space<vmem>>) offsets(%dma_start3A_12 : memref<48xi32, #tpu.memory_space<vmem>>) semaphore(%arg12 : memref<!tpu.dma_semaphore, #tpu.memory_space<semaphore_mem>>)
    %dma_start3A_16 = arith.constant 1 : i32
    %dma_start3A_17 = arith.constant 0 : i32
    %dma_start3A_18 = tpu.memref_slice %arg8[%dma_start3A_16, %dma_start3A_17] : memref<6x48xi32, #tpu.memory_space<vmem>> -> memref<1x48xi32, #tpu.memory_space<vmem>>
    %dma_start3A_19 = tpu.memref_squeeze %dma_start3A_18 : memref<1x48xi32, #tpu.memory_space<vmem>> -> memref<48xi32, #tpu.memory_space<vmem>>
    %dma_start3A_20 = arith.constant 0 : i32
    %dma_start3A_21 = arith.constant 0 : i32
    %dma_start3A_22 = tpu.memref_slice %arg2[%dma_start3A_20, %dma_start3A_21] : memref<36928x768xf32, #tpu.memory_space<hbm>> -> memref<36928x768xf32, #tpu.memory_space<hbm>>
    tpu.enqueue_indirect_dma source(%dma_start3A_22 : memref<36928x768xf32, #tpu.memory_space<hbm>>) target(%arg10 : memref<48x768xf32, #tpu.memory_space<vmem>>) offsets(%dma_start3A_19 : memref<48xi32, #tpu.memory_space<vmem>>) semaphore(%arg13 : memref<!tpu.dma_semaphore, #tpu.memory_space<semaphore_mem>>)
    %dma_start3A_23 = arith.constant 2 : i32
    %dma_start3A_24 = arith.constant 0 : i32
    %dma_start3A_25 = tpu.memref_slice %arg8[%dma_start3A_23, %dma_start3A_24] : memref<6x48xi32, #tpu.memory_space<vmem>> -> memref<1x48xi32, #tpu.memory_space<vmem>>
    %dma_start3A_26 = tpu.memref_squeeze %dma_start3A_25 : memref<1x48xi32, #tpu.memory_space<vmem>> -> memref<48xi32, #tpu.memory_space<vmem>>
    %dma_start3A_27 = arith.constant 0 : i32
    %dma_start3A_28 = arith.constant 0 : i32
    %dma_start3A_29 = tpu.memref_slice %arg2[%dma_start3A_27, %dma_start3A_28] : memref<36928x768xf32, #tpu.memory_space<hbm>> -> memref<36928x768xf32, #tpu.memory_space<hbm>>
    tpu.enqueue_indirect_dma source(%dma_start3A_29 : memref<36928x768xf32, #tpu.memory_space<hbm>>) target(%arg11 : memref<48x768xf32, #tpu.memory_space<vmem>>) offsets(%dma_start3A_26 : memref<48xi32, #tpu.memory_space<vmem>>) semaphore(%arg14 : memref<!tpu.dma_semaphore, #tpu.memory_space<semaphore_mem>>)
    %dma_wait3A = arith.constant 0 : i32
    %dma_wait3A_30 = arith.constant 0 : i32
    %dma_wait3A_31 = tpu.memref_slice %arg8[%dma_wait3A, %dma_wait3A_30] : memref<6x48xi32, #tpu.memory_space<vmem>> -> memref<1x48xi32, #tpu.memory_space<vmem>>
    %dma_wait3A_32 = tpu.memref_squeeze %dma_wait3A_31 : memref<1x48xi32, #tpu.memory_space<vmem>> -> memref<48xi32, #tpu.memory_space<vmem>>
    %dma_wait3A_33 = arith.constant 0 : i32
    %dma_wait3A_34 = arith.constant 0 : i32
    %dma_wait3A_35 = tpu.memref_slice %arg2[%dma_wait3A_33, %dma_wait3A_34] : memref<36928x768xf32, #tpu.memory_space<hbm>> -> memref<36928x768xf32, #tpu.memory_space<hbm>>
    tpu.wait_indirect_dma semaphore(%arg12 : memref<!tpu.dma_semaphore, #tpu.memory_space<semaphore_mem>>) src(%dma_wait3A_35 : memref<36928x768xf32, #tpu.memory_space<hbm>>) dst(%arg9 : memref<48x768xf32, #tpu.memory_space<vmem>>)
    %add3A_36 = arith.constant 0 : i32
    %add3A_37 = arith.addi %mul3A_2, %add3A_36 : i32
    %dma_start3A_38 = arith.constant 0 : i32
    %dma_start3A_39 = tpu.memref_slice %arg5[%add3A_37, %dma_start3A_38] : memref<9216x768xf32, #tpu.memory_space<hbm>> -> memref<48x768xf32, #tpu.memory_space<hbm>>
    %dma_start3A_40 = arith.constant 0 : i32
    %dma_start3A_41 = tpu.memref_slice %arg5[%add3A_37, %dma_start3A_40] : memref<9216x768xf32, #tpu.memory_space<hbm>> -> memref<48x768xf32, #tpu.memory_space<hbm>>
    tpu.enqueue_dma source(%arg9 : memref<48x768xf32, #tpu.memory_space<vmem>>) target(%dma_start3A_41 : memref<48x768xf32, #tpu.memory_space<hbm>>) target_semaphore(%arg15 : memref<!tpu.dma_semaphore, #tpu.memory_space<semaphore_mem>>)
    %dma_wait3A_42 = arith.constant 0 : i32
    %dma_wait3A_43 = tpu.memref_slice %arg5[%add3A_37, %dma_wait3A_42] : memref<9216x768xf32, #tpu.memory_space<hbm>> -> memref<48x768xf32, #tpu.memory_space<hbm>>
    %dma_wait3A_44 = arith.constant 0 : i32
    %dma_wait3A_45 = tpu.memref_slice %arg5[%add3A_37, %dma_wait3A_44] : memref<9216x768xf32, #tpu.memory_space<hbm>> -> memref<48x768xf32, #tpu.memory_space<hbm>>
    tpu.wait_dma2 semaphore(%arg15 : memref<!tpu.dma_semaphore, #tpu.memory_space<semaphore_mem>>) src(%arg9 : memref<48x768xf32, #tpu.memory_space<vmem>>) dst(%dma_wait3A_45 : memref<48x768xf32, #tpu.memory_space<hbm>>)
    %dma_start3A_46 = arith.constant 3 : i32
    %dma_start3A_47 = arith.constant 0 : i32
    %dma_start3A_48 = tpu.memref_slice %arg8[%dma_start3A_46, %dma_start3A_47] : memref<6x48xi32, #tpu.memory_space<vmem>> -> memref<1x48xi32, #tpu.memory_space<vmem>>
    %dma_start3A_49 = tpu.memref_squeeze %dma_start3A_48 : memref<1x48xi32, #tpu.memory_space<vmem>> -> memref<48xi32, #tpu.memory_space<vmem>>
    %dma_start3A_50 = arith.constant 0 : i32
    %dma_start3A_51 = arith.constant 0 : i32
    %dma_start3A_52 = tpu.memref_slice %arg2[%dma_start3A_50, %dma_start3A_51] : memref<36928x768xf32, #tpu.memory_space<hbm>> -> memref<36928x768xf32, #tpu.memory_space<hbm>>
    tpu.enqueue_indirect_dma source(%dma_start3A_52 : memref<36928x768xf32, #tpu.memory_space<hbm>>) target(%arg9 : memref<48x768xf32, #tpu.memory_space<vmem>>) offsets(%dma_start3A_49 : memref<48xi32, #tpu.memory_space<vmem>>) semaphore(%arg12 : memref<!tpu.dma_semaphore, #tpu.memory_space<semaphore_mem>>)
    %dma_wait3A_53 = arith.constant 1 : i32
    %dma_wait3A_54 = arith.constant 0 : i32
    %dma_wait3A_55 = tpu.memref_slice %arg8[%dma_wait3A_53, %dma_wait3A_54] : memref<6x48xi32, #tpu.memory_space<vmem>> -> memref<1x48xi32, #tpu.memory_space<vmem>>
    %dma_wait3A_56 = tpu.memref_squeeze %dma_wait3A_55 : memref<1x48xi32, #tpu.memory_space<vmem>> -> memref<48xi32, #tpu.memory_space<vmem>>
    %dma_wait3A_57 = arith.constant 0 : i32
    %dma_wait3A_58 = arith.constant 0 : i32
    %dma_wait3A_59 = tpu.memref_slice %arg2[%dma_wait3A_57, %dma_wait3A_58] : memref<36928x768xf32, #tpu.memory_space<hbm>> -> memref<36928x768xf32, #tpu.memory_space<hbm>>
    tpu.wait_indirect_dma semaphore(%arg13 : memref<!tpu.dma_semaphore, #tpu.memory_space<semaphore_mem>>) src(%dma_wait3A_59 : memref<36928x768xf32, #tpu.memory_space<hbm>>) dst(%arg10 : memref<48x768xf32, #tpu.memory_space<vmem>>)
    %add3A_60 = arith.constant 48 : i32
    %add3A_61 = arith.addi %mul3A_2, %add3A_60 : i32
    %dma_start3A_62 = arith.constant 0 : i32
    %dma_start3A_63 = tpu.memref_slice %arg5[%add3A_61, %dma_start3A_62] : memref<9216x768xf32, #tpu.memory_space<hbm>> -> memref<48x768xf32, #tpu.memory_space<hbm>>
    %dma_start3A_64 = arith.constant 0 : i32
    %dma_start3A_65 = tpu.memref_slice %arg5[%add3A_61, %dma_start3A_64] : memref<9216x768xf32, #tpu.memory_space<hbm>> -> memref<48x768xf32, #tpu.memory_space<hbm>>
    tpu.enqueue_dma source(%arg10 : memref<48x768xf32, #tpu.memory_space<vmem>>) target(%dma_start3A_65 : memref<48x768xf32, #tpu.memory_space<hbm>>) target_semaphore(%arg16 : memref<!tpu.dma_semaphore, #tpu.memory_space<semaphore_mem>>)
    %dma_wait3A_66 = arith.constant 0 : i32
    %dma_wait3A_67 = tpu.memref_slice %arg5[%add3A_61, %dma_wait3A_66] : memref<9216x768xf32, #tpu.memory_space<hbm>> -> memref<48x768xf32, #tpu.memory_space<hbm>>
    %dma_wait3A_68 = arith.constant 0 : i32
    %dma_wait3A_69 = tpu.memref_slice %arg5[%add3A_61, %dma_wait3A_68] : memref<9216x768xf32, #tpu.memory_space<hbm>> -> memref<48x768xf32, #tpu.memory_space<hbm>>
    tpu.wait_dma2 semaphore(%arg16 : memref<!tpu.dma_semaphore, #tpu.memory_space<semaphore_mem>>) src(%arg10 : memref<48x768xf32, #tpu.memory_space<vmem>>) dst(%dma_wait3A_69 : memref<48x768xf32, #tpu.memory_space<hbm>>)
    %dma_start3A_70 = arith.constant 4 : i32
    %dma_start3A_71 = arith.constant 0 : i32
    %dma_start3A_72 = tpu.memref_slice %arg8[%dma_start3A_70, %dma_start3A_71] : memref<6x48xi32, #tpu.memory_space<vmem>> -> memref<1x48xi32, #tpu.memory_space<vmem>>
    %dma_start3A_73 = tpu.memref_squeeze %dma_start3A_72 : memref<1x48xi32, #tpu.memory_space<vmem>> -> memref<48xi32, #tpu.memory_space<vmem>>
    %dma_start3A_74 = arith.constant 0 : i32
    %dma_start3A_75 = arith.constant 0 : i32
    %dma_start3A_76 = tpu.memref_slice %arg2[%dma_start3A_74, %dma_start3A_75] : memref<36928x768xf32, #tpu.memory_space<hbm>> -> memref<36928x768xf32, #tpu.memory_space<hbm>>
    tpu.enqueue_indirect_dma source(%dma_start3A_76 : memref<36928x768xf32, #tpu.memory_space<hbm>>) target(%arg10 : memref<48x768xf32, #tpu.memory_space<vmem>>) offsets(%dma_start3A_73 : memref<48xi32, #tpu.memory_space<vmem>>) semaphore(%arg13 : memref<!tpu.dma_semaphore, #tpu.memory_space<semaphore_mem>>)
    %dma_wait3A_77 = arith.constant 2 : i32
    %dma_wait3A_78 = arith.constant 0 : i32
    %dma_wait3A_79 = tpu.memref_slice %arg8[%dma_wait3A_77, %dma_wait3A_78] : memref<6x48xi32, #tpu.memory_space<vmem>> -> memref<1x48xi32, #tpu.memory_space<vmem>>
    %dma_wait3A_80 = tpu.memref_squeeze %dma_wait3A_79 : memref<1x48xi32, #tpu.memory_space<vmem>> -> memref<48xi32, #tpu.memory_space<vmem>>
    %dma_wait3A_81 = arith.constant 0 : i32
    %dma_wait3A_82 = arith.constant 0 : i32
    %dma_wait3A_83 = tpu.memref_slice %arg2[%dma_wait3A_81, %dma_wait3A_82] : memref<36928x768xf32, #tpu.memory_space<hbm>> -> memref<36928x768xf32, #tpu.memory_space<hbm>>
    tpu.wait_indirect_dma semaphore(%arg14 : memref<!tpu.dma_semaphore, #tpu.memory_space<semaphore_mem>>) src(%dma_wait3A_83 : memref<36928x768xf32, #tpu.memory_space<hbm>>) dst(%arg11 : memref<48x768xf32, #tpu.memory_space<vmem>>)
    %add3A_84 = arith.constant 96 : i32
    %add3A_85 = arith.addi %mul3A_2, %add3A_84 : i32
    %dma_start3A_86 = arith.constant 0 : i32
    %dma_start3A_87 = tpu.memref_slice %arg5[%add3A_85, %dma_start3A_86] : memref<9216x768xf32, #tpu.memory_space<hbm>> -> memref<48x768xf32, #tpu.memory_space<hbm>>
    %dma_start3A_88 = arith.constant 0 : i32
    %dma_start3A_89 = tpu.memref_slice %arg5[%add3A_85, %dma_start3A_88] : memref<9216x768xf32, #tpu.memory_space<hbm>> -> memref<48x768xf32, #tpu.memory_space<hbm>>
    tpu.enqueue_dma source(%arg11 : memref<48x768xf32, #tpu.memory_space<vmem>>) target(%dma_start3A_89 : memref<48x768xf32, #tpu.memory_space<hbm>>) target_semaphore(%arg17 : memref<!tpu.dma_semaphore, #tpu.memory_space<semaphore_mem>>)
    %dma_wait3A_90 = arith.constant 0 : i32
    %dma_wait3A_91 = tpu.memref_slice %arg5[%add3A_85, %dma_wait3A_90] : memref<9216x768xf32, #tpu.memory_space<hbm>> -> memref<48x768xf32, #tpu.memory_space<hbm>>
    %dma_wait3A_92 = arith.constant 0 : i32
    %dma_wait3A_93 = tpu.memref_slice %arg5[%add3A_85, %dma_wait3A_92] : memref<9216x768xf32, #tpu.memory_space<hbm>> -> memref<48x768xf32, #tpu.memory_space<hbm>>
    tpu.wait_dma2 semaphore(%arg17 : memref<!tpu.dma_semaphore, #tpu.memory_space<semaphore_mem>>) src(%arg11 : memref<48x768xf32, #tpu.memory_space<vmem>>) dst(%dma_wait3A_93 : memref<48x768xf32, #tpu.memory_space<hbm>>)
    %dma_start3A_94 = arith.constant 5 : i32
    %dma_start3A_95 = arith.constant 0 : i32
    %dma_start3A_96 = tpu.memref_slice %arg8[%dma_start3A_94, %dma_start3A_95] : memref<6x48xi32, #tpu.memory_space<vmem>> -> memref<1x48xi32, #tpu.memory_space<vmem>>
    %dma_start3A_97 = tpu.memref_squeeze %dma_start3A_96 : memref<1x48xi32, #tpu.memory_space<vmem>> -> memref<48xi32, #tpu.memory_space<vmem>>
    %dma_start3A_98 = arith.constant 0 : i32
    %dma_start3A_99 = arith.constant 0 : i32
    %dma_start3A_100 = tpu.memref_slice %arg2[%dma_start3A_98, %dma_start3A_99] : memref<36928x768xf32, #tpu.memory_space<hbm>> -> memref<36928x768xf32, #tpu.memory_space<hbm>>
    tpu.enqueue_indirect_dma source(%dma_start3A_100 : memref<36928x768xf32, #tpu.memory_space<hbm>>) target(%arg11 : memref<48x768xf32, #tpu.memory_space<vmem>>) offsets(%dma_start3A_97 : memref<48xi32, #tpu.memory_space<vmem>>) semaphore(%arg14 : memref<!tpu.dma_semaphore, #tpu.memory_space<semaphore_mem>>)
    %dma_wait3A_101 = arith.constant 3 : i32
    %dma_wait3A_102 = arith.constant 0 : i32
    %dma_wait3A_103 = tpu.memref_slice %arg8[%dma_wait3A_101, %dma_wait3A_102] : memref<6x48xi32, #tpu.memory_space<vmem>> -> memref<1x48xi32, #tpu.memory_space<vmem>>
    %dma_wait3A_104 = tpu.memref_squeeze %dma_wait3A_103 : memref<1x48xi32, #tpu.memory_space<vmem>> -> memref<48xi32, #tpu.memory_space<vmem>>
    %dma_wait3A_105 = arith.constant 0 : i32
    %dma_wait3A_106 = arith.constant 0 : i32
    %dma_wait3A_107 = tpu.memref_slice %arg2[%dma_wait3A_105, %dma_wait3A_106] : memref<36928x768xf32, #tpu.memory_space<hbm>> -> memref<36928x768xf32, #tpu.memory_space<hbm>>
    tpu.wait_indirect_dma semaphore(%arg12 : memref<!tpu.dma_semaphore, #tpu.memory_space<semaphore_mem>>) src(%dma_wait3A_107 : memref<36928x768xf32, #tpu.memory_space<hbm>>) dst(%arg9 : memref<48x768xf32, #tpu.memory_space<vmem>>)
    %add3A_108 = arith.constant 144 : i32
    %add3A_109 = arith.addi %mul3A_2, %add3A_108 : i32
    %dma_start3A_110 = arith.constant 0 : i32
    %dma_start3A_111 = tpu.memref_slice %arg5[%add3A_109, %dma_start3A_110] : memref<9216x768xf32, #tpu.memory_space<hbm>> -> memref<48x768xf32, #tpu.memory_space<hbm>>
    %dma_start3A_112 = arith.constant 0 : i32
    %dma_start3A_113 = tpu.memref_slice %arg5[%add3A_109, %dma_start3A_112] : memref<9216x768xf32, #tpu.memory_space<hbm>> -> memref<48x768xf32, #tpu.memory_space<hbm>>
    tpu.enqueue_dma source(%arg9 : memref<48x768xf32, #tpu.memory_space<vmem>>) target(%dma_start3A_113 : memref<48x768xf32, #tpu.memory_space<hbm>>) target_semaphore(%arg15 : memref<!tpu.dma_semaphore, #tpu.memory_space<semaphore_mem>>)
    %dma_wait3A_114 = arith.constant 4 : i32
    %dma_wait3A_115 = arith.constant 0 : i32
    %dma_wait3A_116 = tpu.memref_slice %arg8[%dma_wait3A_114, %dma_wait3A_115] : memref<6x48xi32, #tpu.memory_space<vmem>> -> memref<1x48xi32, #tpu.memory_space<vmem>>
    %dma_wait3A_117 = tpu.memref_squeeze %dma_wait3A_116 : memref<1x48xi32, #tpu.memory_space<vmem>> -> memref<48xi32, #tpu.memory_space<vmem>>
    %dma_wait3A_118 = arith.constant 0 : i32
    %dma_wait3A_119 = arith.constant 0 : i32
    %dma_wait3A_120 = tpu.memref_slice %arg2[%dma_wait3A_118, %dma_wait3A_119] : memref<36928x768xf32, #tpu.memory_space<hbm>> -> memref<36928x768xf32, #tpu.memory_space<hbm>>
    tpu.wait_indirect_dma semaphore(%arg13 : memref<!tpu.dma_semaphore, #tpu.memory_space<semaphore_mem>>) src(%dma_wait3A_120 : memref<36928x768xf32, #tpu.memory_space<hbm>>) dst(%arg10 : memref<48x768xf32, #tpu.memory_space<vmem>>)
    %add3A_121 = arith.constant 192 : i32
    %add3A_122 = arith.addi %mul3A_2, %add3A_121 : i32
    %dma_start3A_123 = arith.constant 0 : i32
    %dma_start3A_124 = tpu.memref_slice %arg5[%add3A_122, %dma_start3A_123] : memref<9216x768xf32, #tpu.memory_space<hbm>> -> memref<48x768xf32, #tpu.memory_space<hbm>>
    %dma_start3A_125 = arith.constant 0 : i32
    %dma_start3A_126 = tpu.memref_slice %arg5[%add3A_122, %dma_start3A_125] : memref<9216x768xf32, #tpu.memory_space<hbm>> -> memref<48x768xf32, #tpu.memory_space<hbm>>
    tpu.enqueue_dma source(%arg10 : memref<48x768xf32, #tpu.memory_space<vmem>>) target(%dma_start3A_126 : memref<48x768xf32, #tpu.memory_space<hbm>>) target_semaphore(%arg16 : memref<!tpu.dma_semaphore, #tpu.memory_space<semaphore_mem>>)
    %dma_wait3A_127 = arith.constant 5 : i32
    %dma_wait3A_128 = arith.constant 0 : i32
    %dma_wait3A_129 = tpu.memref_slice %arg8[%dma_wait3A_127, %dma_wait3A_128] : memref<6x48xi32, #tpu.memory_space<vmem>> -> memref<1x48xi32, #tpu.memory_space<vmem>>
    %dma_wait3A_130 = tpu.memref_squeeze %dma_wait3A_129 : memref<1x48xi32, #tpu.memory_space<vmem>> -> memref<48xi32, #tpu.memory_space<vmem>>
    %dma_wait3A_131 = arith.constant 0 : i32
    %dma_wait3A_132 = arith.constant 0 : i32
    %dma_wait3A_133 = tpu.memref_slice %arg2[%dma_wait3A_131, %dma_wait3A_132] : memref<36928x768xf32, #tpu.memory_space<hbm>> -> memref<36928x768xf32, #tpu.memory_space<hbm>>
    tpu.wait_indirect_dma semaphore(%arg14 : memref<!tpu.dma_semaphore, #tpu.memory_space<semaphore_mem>>) src(%dma_wait3A_133 : memref<36928x768xf32, #tpu.memory_space<hbm>>) dst(%arg11 : memref<48x768xf32, #tpu.memory_space<vmem>>)
    %add3A_134 = arith.constant 240 : i32
    %add3A_135 = arith.addi %mul3A_2, %add3A_134 : i32
    %dma_start3A_136 = arith.constant 0 : i32
    %dma_start3A_137 = tpu.memref_slice %arg5[%add3A_135, %dma_start3A_136] : memref<9216x768xf32, #tpu.memory_space<hbm>> -> memref<48x768xf32, #tpu.memory_space<hbm>>
    %dma_start3A_138 = arith.constant 0 : i32
    %dma_start3A_139 = tpu.memref_slice %arg5[%add3A_135, %dma_start3A_138] : memref<9216x768xf32, #tpu.memory_space<hbm>> -> memref<48x768xf32, #tpu.memory_space<hbm>>
    tpu.enqueue_dma source(%arg11 : memref<48x768xf32, #tpu.memory_space<vmem>>) target(%dma_start3A_139 : memref<48x768xf32, #tpu.memory_space<hbm>>) target_semaphore(%arg17 : memref<!tpu.dma_semaphore, #tpu.memory_space<semaphore_mem>>)
    %dma_wait3A_140 = arith.constant 0 : i32
    %dma_wait3A_141 = tpu.memref_slice %arg5[%add3A_109, %dma_wait3A_140] : memref<9216x768xf32, #tpu.memory_space<hbm>> -> memref<48x768xf32, #tpu.memory_space<hbm>>
    %dma_wait3A_142 = arith.constant 0 : i32
    %dma_wait3A_143 = tpu.memref_slice %arg5[%add3A_109, %dma_wait3A_142] : memref<9216x768xf32, #tpu.memory_space<hbm>> -> memref<48x768xf32, #tpu.memory_space<hbm>>
    tpu.wait_dma2 semaphore(%arg15 : memref<!tpu.dma_semaphore, #tpu.memory_space<semaphore_mem>>) src(%arg9 : memref<48x768xf32, #tpu.memory_space<vmem>>) dst(%dma_wait3A_143 : memref<48x768xf32, #tpu.memory_space<hbm>>)
    %dma_wait3A_144 = arith.constant 0 : i32
    %dma_wait3A_145 = tpu.memref_slice %arg5[%add3A_122, %dma_wait3A_144] : memref<9216x768xf32, #tpu.memory_space<hbm>> -> memref<48x768xf32, #tpu.memory_space<hbm>>
    %dma_wait3A_146 = arith.constant 0 : i32
    %dma_wait3A_147 = tpu.memref_slice %arg5[%add3A_122, %dma_wait3A_146] : memref<9216x768xf32, #tpu.memory_space<hbm>> -> memref<48x768xf32, #tpu.memory_space<hbm>>
    tpu.wait_dma2 semaphore(%arg16 : memref<!tpu.dma_semaphore, #tpu.memory_space<semaphore_mem>>) src(%arg10 : memref<48x768xf32, #tpu.memory_space<vmem>>) dst(%dma_wait3A_147 : memref<48x768xf32, #tpu.memory_space<hbm>>)
    %dma_wait3A_148 = arith.constant 0 : i32
    %dma_wait3A_149 = tpu.memref_slice %arg5[%add3A_135, %dma_wait3A_148] : memref<9216x768xf32, #tpu.memory_space<hbm>> -> memref<48x768xf32, #tpu.memory_space<hbm>>
    %dma_wait3A_150 = arith.constant 0 : i32
    %dma_wait3A_151 = tpu.memref_slice %arg5[%add3A_135, %dma_wait3A_150] : memref<9216x768xf32, #tpu.memory_space<hbm>> -> memref<48x768xf32, #tpu.memory_space<hbm>>
    tpu.wait_dma2 semaphore(%arg17 : memref<!tpu.dma_semaphore, #tpu.memory_space<semaphore_mem>>) src(%arg11 : memref<48x768xf32, #tpu.memory_space<vmem>>) dst(%dma_wait3A_151 : memref<48x768xf32, #tpu.memory_space<hbm>>)
    %eq3A_152 = arith.constant 0 : i32
    %eq3A_153 = arith.cmpi eq, %add3A, %eq3A_152 : i32
    %convert_element_type3A_154 = arith.extui %eq3A_153 : i1 to i32
    %cond3A_155 = arith.constant 0 : i32
    %cond3A_156 = arith.cmpi ne, %convert_element_type3A_154, %cond3A_155 : i32
    scf.if %cond3A_156 {
      %dma_wait3A_162 = arith.constant 0 : i32
      %dma_wait3A_163 = arith.constant 0 : i32
      %dma_wait3A_164 = arith.constant 0 : i32
      %dma_wait3A_165 = tpu.memref_slice %arg4[%dma_wait3A_162, %dma_wait3A_163, %dma_wait3A_164] : memref<2x64x577xi32, #tpu.memory_space<hbm>> -> memref<1x64x577xi32, #tpu.memory_space<hbm>>
      %dma_wait3A_166 = tpu.memref_squeeze %dma_wait3A_165 : memref<1x64x577xi32, #tpu.memory_space<hbm>> -> memref<64x577xi32, #tpu.memory_space<hbm>>
      tpu.wait_dma2 semaphore(%arg18 : memref<!tpu.dma_semaphore, #tpu.memory_space<semaphore_mem>>) src(%dma_wait3A_166 : memref<64x577xi32, #tpu.memory_space<hbm>>) dst(%arg6 : memref<64x577xi32, #tpu.memory_space<hbm>>)
    } else {
    }
    %eq3A_157 = arith.constant 1 : i32
    %eq3A_158 = arith.cmpi eq, %add3A, %eq3A_157 : i32
    %convert_element_type3A_159 = arith.extui %eq3A_158 : i1 to i32
    %cond3A_160 = arith.constant 0 : i32
    %cond3A_161 = arith.cmpi ne, %convert_element_type3A_159, %cond3A_160 : i32
    scf.if %cond3A_161 {
      %dma_wait3A_162 = arith.constant 1 : i32
      %dma_wait3A_163 = arith.constant 0 : i32
      %dma_wait3A_164 = arith.constant 0 : i32
      %dma_wait3A_165 = tpu.memref_slice %arg4[%dma_wait3A_162, %dma_wait3A_163, %dma_wait3A_164] : memref<2x64x577xi32, #tpu.memory_space<hbm>> -> memref<1x64x577xi32, #tpu.memory_space<hbm>>
      %dma_wait3A_166 = tpu.memref_squeeze %dma_wait3A_165 : memref<1x64x577xi32, #tpu.memory_space<hbm>> -> memref<64x577xi32, #tpu.memory_space<hbm>>
      tpu.wait_dma2 semaphore(%arg18 : memref<!tpu.dma_semaphore, #tpu.memory_space<semaphore_mem>>) src(%dma_wait3A_166 : memref<64x577xi32, #tpu.memory_space<hbm>>) dst(%arg7 : memref<64x577xi32, #tpu.memory_space<hbm>>)
    } else {
    }
    return
  }
}

</mosaic_0001>

<sc_bundles>
// kernel: kernel.3.cloned.1.call-start
scs
__scs_entry_jumppad:
0x0: {  	(pc) =	sbr.rel $0x88, $3  }
0x1: {  	(tag) =	ssettag $0x0;
	lr =	simm.s32 $0x1  }
0x2: {  	[smem:$0x3FA0] =	sst lr;
	_ =	strace $0xD0000000  }
0x3: {  	_ = 	snop  }
0x4: {  	_ = 	snop  }
0x5: {  	_ = 	snop  }
0x6: {  	_ = 	snop  }
0x7: {  	_ = 	snop  }
__scs_overlays_trampoline_lowered:
0x8: {  	[smem:$0x3FAF] =	sst s0  }
0x9: {  	[smem:$0x3FB0] =	sst s1  }
0xa: {  	[smem:$0x3FB1] =	sst s2  }
0xb: {  	[smem:$0x3FB2] =	sst s3  }
0xc: {  	[smem:$0x3FB3] =	sst s4  }
0xd: {  	[smem:$0x3FB4] =	sst s5  }
0xe: {  	[smem:$0x3FB5] =	sst s6  }
0xf: {  	[smem:$0x3FB6] =	sst s7  }
0x10: {  	[smem:$0x3FB7] =	sst s8  }
0x11: {  	[smem:$0x3FB8] =	sst s9;
	s0 =	simm.s32 @!p0 $0x0  }
0x12: {  	s1 =	sld [smem:$0x3F9E];
	s0 =	simm.s32 @p0 $0x1  }
0x13: {  	[smem:$0x3FB9] =	sst s0;
	s0 =	simm.s32 @!p1 $0x0  }
0x14: {  	s2 =	sld [smem:$0x3F9D];
	s0 =	simm.s32 @p1 $0x1  }
0x15: {  	[smem:$0x3FBA] =	sst s0;
	s0 =	simm.s32 @!p2 $0x0  }
0x16: {  	s3 =	sld [smem:$0x3FDB];
	s0 =	simm.s32 @p2 $0x1  }
0x17: {  	s4 =	simm.s32 $0x1BF5;
	[smem:$0x3FBC] =	sst s0  }
0x18: {  	s0 =	sld [smem:$0x3F9F];
	_ =	swait.ge [sflag:s4], $0x0  }
0x19: {  	s7 =	sld [smem:$0x3FA0]  }
0x1a: {  	s8 =	sadd.s32 $0xFFFFE003, lr  }
0x1b: {  	s9 =	sadd.s32 $0xFFFFFEF7, lr;
	s5 =	simm.s32 $0xFFFFFFFF;
	p2 =	slt.u32 s8, $0xFFFFF086  }
0x1c: {  	p1 =	slt.u32 s9, $0xF7A;
	s5 =	simm.s32 @!p2 $0x0  }
0x1d: {  	s5 =	simm.s32 @p1 $0x1;
	p0 =	seq.s32 s7, s2  }
0x1e: {  	s7 =	smul.u32 @!p0 $0xF7A, s2;
	p2 =	seq.s32 @!p0 s5, $0x0  }
0x1f: {  	s9 =	smul.u32 $0xF7A, s1;
	s8 =	simm.s32 @!p0 $0x1BF5;
	p2 =	por !p2, p0  }
0x20: {  	[sflag:s8] =	ssyncset.s32 @!p0 $0xFFFFF086;
	s6 =	sadd.s32 @!p0 s3, s7;
	s7 =	simm.s32 @!p0 $0x108  }
0x21: {  	s3 =	sadd.s32 s3, s9;
	s6 =	sadd.s32 @!p0 $0x88, s6;
	s7 =	simm.s32 @p2 $0x1082  }
0x22: {  	[simem:s7], [sflag:s8] =	dma.local @!p0 [hbm:s6], $0xF7A  }
0x23: {  	s9 =	sor.u32 $0xD0000000, s2;
	s6 =	simm.s32 $0x108;
	_ =	swait.ge @!p0 [sflag:s8], $0x0  }
0x24: {  	s3 =	sadd.s32 $0x88, s3;
	s6 =	simm.s32 @!p1 $0x1082;
	[sflag:s4] =	ssyncset.s32 $0xFFFFF086  }
0x25: {  	[simem:s6], [sflag:s4] =	dma.local [hbm:s3], $0xF7A  }
0x26: {  	[smem:$0x3FA0] =	sst s1;
	(tag) =	ssettag s2;
	_ =	strace s9  }
0x27: {  	s1 =	sld [smem:$0x3FB0]  }
0x28: {  	s2 =	sld [smem:$0x3FB1]  }
0x29: {  	s4 =	sld [smem:$0x3FB3]  }
0x2a: {  	p0 =	seq.s32 s5, $0x0;
	s5 =	sld [smem:$0x3FB4]  }
0x2b: {  	s6 =	sld [smem:$0x3FB5]  }
0x2c: {  	s7 =	sld [smem:$0x3FB6]  }
0x2d: {  	s3 =	simm.s32 $0x108;
	s8 =	sld [smem:$0x3FB7]  }
0x2e: {  	s3 =	simm.s32 @!p0 $0x1082;
	s9 =	sld [smem:$0x3FB8]  }
0x2f: {  	lr =	sadd.s32 s0, s3;
	s0 =	sld [smem:$0x3FAF]  }
0x30: {  	s3 =	sld [smem:$0x3FB2]  }
0x31: {  	[smem:$0x3FBB] =	sst s10  }
0x32: {  	s10 =	sld [smem:$0x3FB9];
	_ =	sdelay $0x3  }
0x33: {  	p0 =	seq.s32 s10, $0x1;
	s10 =	sld [smem:$0x3FBB];
	_ =	sdelay $0x3  }
0x34: {  	[smem:$0x3FBB] =	sst s10  }
0x35: {  	s10 =	sld [smem:$0x3FBA];
	_ =	sdelay $0x3  }
0x36: {  	p1 =	seq.s32 s10, $0x1;
	s10 =	sld [smem:$0x3FBB];
	_ =	sdelay $0x3  }
0x37: {  	[smem:$0x3FBB] =	sst s10  }
0x38: {  	s10 =	sld [smem:$0x3FBC]  }
0x39: {  	_ = 	snop;
	(pc) =	sbr.ind lr, $3  }
0x3a: {  	_ = 	snop  }
0x3b: {  	_ = 	snop  }
0x3c: {  	p2 =	seq.s32 s10, $0x1;
	s10 =	sld [smem:$0x3FBB]  }
0x3d: {  	_ =	shalt  }
0x3e: {  	_ =	shalt  }
0x3f: {  	_ =	shalt  }
0x40: {  	_ =	shalt  }
0x41: {  	_ =	shalt  }
0x42: {  	_ =	shalt  }
0x43: {  	_ =	shalt  }
0x44: {  	_ =	shalt  }
0x45: {  	_ =	shalt  }
0x46: {  	_ =	shalt  }
0x47: {  	_ =	shalt  }
0x48: {  	_ =	shalt  }
0x49: {  	_ =	shalt  }
0x4a: {  	_ =	shalt  }
0x4b: {  	_ =	shalt  }
0x4c: {  	_ =	shalt  }
0x4d: {  	_ =	shalt  }
0x4e: {  	_ =	shalt  }
0x4f: {  	_ =	shalt  }
0x50: {  	_ =	shalt  }
0x51: {  	_ =	shalt  }
0x52: {  	_ =	shalt  }
0x53: {  	_ =	shalt  }
0x54: {  	_ =	shalt  }
0x55: {  	_ =	shalt  }
0x56: {  	_ =	shalt  }
0x57: {  	_ =	shalt  }
0x58: {  	_ =	shalt  }
0x59: {  	_ =	shalt  }
0x5a: {  	_ =	shalt  }
0x5b: {  	_ =	shalt  }
0x5c: {  	_ =	shalt  }
0x5d: {  	_ =	shalt  }
0x5e: {  	_ =	shalt  }
0x5f: {  	_ =	shalt  }
0x60: {  	_ =	shalt  }
0x61: {  	_ =	shalt  }
0x62: {  	_ =	shalt  }
0x63: {  	_ =	shalt  }
0x64: {  	_ =	shalt  }
0x65: {  	_ =	shalt  }
0x66: {  	_ =	shalt  }
0x67: {  	_ =	shalt  }
0x68: {  	_ =	shalt  }
0x69: {  	_ =	shalt  }
0x6a: {  	_ =	shalt  }
0x6b: {  	_ =	shalt  }
0x6c: {  	_ =	shalt  }
0x6d: {  	_ =	shalt  }
0x6e: {  	_ =	shalt  }
0x6f: {  	_ =	shalt  }
0x70: {  	_ =	shalt  }
0x71: {  	_ =	shalt  }
0x72: {  	_ =	shalt  }
0x73: {  	_ =	shalt  }
0x74: {  	_ =	shalt  }
0x75: {  	_ =	shalt  }
0x76: {  	_ =	shalt  }
0x77: {  	_ =	shalt  }
0x78: {  	_ =	shalt  }
0x79: {  	_ =	shalt  }
0x7a: {  	_ =	shalt  }
0x7b: {  	_ =	shalt  }
0x7c: {  	_ =	shalt  }
0x7d: {  	_ =	shalt  }
0x7e: {  	_ =	shalt  }
0x7f: {  	_ =	shalt  }
0x80: {  	_ =	shalt  }
0x81: {  	_ =	shalt  }
0x82: {  	_ =	shalt  }
0x83: {  	_ =	shalt  }
0x84: {  	_ =	shalt  }
0x85: {  	_ =	shalt  }
0x86: {  	_ =	shalt  }
0x87: {  	_ =	shalt  }
.Lfunc_end0:
.L_simem_size_0:
called_computation_lowered:
.L_overlay_start_0:
0x88: {  	s2 =	sld [smem:$0x3FD9]  }
0x89: {  	s3 =	sld [smem:$0x3FFE];
	_ =	sdelay $0x1  }
0x8a: {  	s1 =	srdreg.scid  }
0x8b: {  	s0 =	sand.u32 $0x1, s1  }
0x8c: {  	s14 =	sshll.u32 s0, $0xA;
	s2 =	sadd.s32 s3, s2  }
0x8d: {  	s2 =	sadd.s32 s2, s14  }
0x8e: {  	[smem:$0x3FC7] =	sst s2  }
0x8f: {  	_ = 	snop  }
0x90: {  	s2 =	sld [smem:$0x3FD0];
	_ =	sdelay $0x2  }
0x91: {  	s4 =	simm.s32 $0xA;
	s5 =	simm.s32 $0x10;
	s15 =	sld [smem:$0x3FC9]  }
0x92: {  	[smem:s5], [sflag:s4] =	dma.local [hbm:s2], $0x1  }
0x93: {  	_ =	swait.eq [sflag:s4], $0x1  }
0x94: {  	s16 =	sld [smem:$0x10];
	[sflag:s4] =	ssyncset.done $0x0  }
0x95: {  	s17 =	sld [smem:$0x11];
	[sflag:s4] =	ssyncadd.s32 $0xFFFFFFFF  }
0x96: {  	s18 =	sld [smem:$0x12];
	(tm) =	ssettm $0x1  }
0x97: {  	s6 =	sld [smem:$0x3FFB];
	_ =	sdelay $0x3  }
0x98: {  	_ =	strace s6  }
0x99: {  	s6 =	sld [smem:$0x3FFC];
	_ =	sdelay $0x3  }
0x9a: {  	_ =	strace s6  }
0x9b: {  	s6 =	sld [smem:$0x3FFD];
	_ =	sdelay $0x3  }
0x9c: {  	_ =	strace s6  }
0x9d: {  	_ =	strace $0x8FFFFFFF  }
0x9e: {  	s19 =	sld [smem:$0x3FDB];
	_ =	sdelay $0x1  }
0x9f: {  	s7 =	simm.s32 $_scs_section_size  }
0xa0: {  	s8 =	simm.s32 $_size__tile_overlayer_lowered;
	s9 =	simm.s32 $_tile_overlayer_lowered  }
0xa1: {  	s22 =	simm.s32 $0x1BFF;
	s21 =	sshll.u32 s9, $0x1;
	s6 =	sadd.s32 s7, s19  }
0xa2: {  	s10 =	simm.s32 $0x0;
	s20 =	sshll.u32 s8, $0x1;
	s8 =	sadd.s32 s21, s6  }
0xa3: {  	[timem:s10], [sflag:s22] =	dma.local [hbm:s8], s20  }
0xa4: {  	_ =	swait.ge [sflag:s22], s20  }
0xa5: {  	s7 =	ssub.s32 $0x0, s20;
	[sflag:s22] =	ssyncset.done $0x0  }
0xa6: {  	[sflag:s22] =	ssyncadd.s32 s7;
	_ =	sdelay $0x1  }
0xa7: {  	s23 =	simm.s32 $0x1B8B  }
0xa8: {  	_ =	swait.ge [sflag:s23], $0x1  }
0xa9: {  	[sflag:s23] =	ssyncset.done $0x0  }
0xaa: {  	s25 =	simm.s32 $0x1B8E;
	s24 =	sld [smem:$0x3FFE];
	[sflag:s23] =	ssyncadd.s32 $0xFFFFFFFF  }
0xab: {  	s26 =	simm.s32 $execute0_lowered;
	[smem:$0x3FD2] =	sst s25  }
0xac: {  	s8 =	sshll.u32 s26, $0x1;
	_ =	strace $0x80000046;
	[dreg:$0x1] =	wrdreg $0xFFFFFFFF  }
0xad: {  	s28 =	simm.s32 $_size_execute0_lowered;
	s6 =	sadd.s32 s6, s8;
	[dreg:$0x0] =	wrdreg $0x0  }
0xae: {  	s8 =	sshll.u32 s28, $0x1;
	[dreg:$0x2] =	wrdreg s6  }
0xaf: {  	[dreg:$0x3] =	wrdreg s8  }
0xb0: {  	[dreg:$0x4] =	wrdreg $0xC0  }
0xb1: {  	_ =	task [dreg:s10], $0x5FFFF  }
0xb2: {  	[dreg:$0x1] =	wrdreg $0xFFFFFFFF  }
0xb3: {  	[dreg:$0x0] =	wrdreg $0x60  }
0xb4: {  	[dreg:$0x2] =	wrdreg s15  }
0xb5: {  	[dreg:$0x3] =	wrdreg s24  }
0xb6: {  	[dreg:$0x4] =	wrdreg s16  }
0xb7: {  	[dreg:$0x5] =	wrdreg s17  }
0xb8: {  	[dreg:$0x6] =	wrdreg s18  }
0xb9: {  	[dreg:$0x7] =	wrdreg $0x9  }
0xba: {  	_ =	task.clear_ibuf [dreg:s10], $0x8FFFF;
	_ =	strace $0x90000046  }
0xbb: {  	s29 =	simm.s32 $0x9;
	_ =	strace $0x80000048  }
0xbc: {  	_ =	swait.ge [sflag:s29], $0x1  }
0xbd: {  	[sflag:s29] =	ssyncadd.s32 $0xFFFFFFFF  }
0xbe: {  	_ =	strace $0x90000048  }
0xbf: {  	_ =	sfence  }
0xc0: {  	s30 =	sld [smem:$0x0];
	_ =	sdelay $0x2  }
0xc1: {  	s31 =	sshll.u32 s1, $0xD;
	s1 =	sshrl.u32 s1, $0x2  }
0xc2: {  	s3 =	sand.u32 $0x4000, s31;
	s1 =	sadd.s32 s1, s30  }
0xc3: {  	s0 =	sor.u32 s3, s0;
	s1 =	sshll.u32 s1, $0x11  }
0xc4: {  	s0 =	sor.u32 s1, s0  }
0xc5: {  	s0 =	sadd.s32 $0x8F2B, s0  }
0xc6: {  	[sflag:s0] =	ssyncadd.remote.s32 $0x1  }
0xc7: {  	_ =	sfence.sel $0xFFFF  }
0xc8: {  	[dreg:$0x0] =	wrdreg $0xFFFFFFFF;
	(pc) =	sbr.abs _section_cstart, $3  }
0xc9: {  	[dreg:$0x1] =	wrdreg $0xFFFFFFFF  }
0xca: {  	_ =	task.clear_ibuf [dreg:s10], $0x2FFFF;
	_ =	strace $0x9FFFFFFF  }
0xcb: {  	(tm) =	ssettm $0x7FFFFFFF  }
tec
execute0_lowered:
.L_overlay_start_1:
0x0: {  	(tag) =	ssettag $0x1  }
0x1: {  	s0 =	rddreg [dreg:$0x0]  }
0x2: {  	s1 =	rddreg [dreg:$0x1]  }
0x3: {  	s2 =	rddreg [dreg:$0x2]  }
0x4: {  	s3 =	rddreg [dreg:$0x3];
	s18 =	srdreg.scid  }
0x5: {  	s9 =	stileid.u32;
	s4 =	rddreg [dreg:$0x4]  }
0x6: {  	p2 =	por $0x0, $0x0;
	s29 =	simm.s32 $0x1C00;
	s30 =	simm.s32 $0x2400  }
0x7: {  	s31 =	simm.s32 $0x2C00;
	s12 =	simm.s32 $0x5400;
	s13 =	simm.s32 $0x5C00  }
0x8: {  	s14 =	simm.s32 $0x6400;
	s15 =	simm.s32 $0x6C00;
	s16 =	simm.s32 $0x7400  }
0x9: {  	s17 =	simm.s32 $0x7C00;
	s28 =	simm.s32 $0xB400;
	[dreg:$0x7] =	wrdreg s3  }
0xa: {  	s5 =	sand.u32 $0x1, s18;
	s19 =	sshll.u32 s9, $0x1;
	[dreg:$0x8] =	wrdreg s4  }
0xb: {  	s3 =	simm.s32 $0x0;
	s8 =	sadd.s32 $0x800, s1;
	s18 =	simm.s32 $0x3400  }
0xc: {  	s4 =	sor.u32 s5, s19;
	[smem:$0x7FF] =	sst s3;
	s21 =	ssub.s32 $0x2, s5  }
0xd: {  	s19 =	simm.s32 $0x3C00;
	s6 =	smul.u32 $0x120, s4;
	_ =	strace $0x80000047  }
0xe: {  	s7 =	sshll.u32 s4, $0x7;
	[dreg:$0x6] =	wrdreg s8;
	s5 =	sshrl.u32 s21, $0x1  }
0xf: {  	p0 =	seq.s32 s4, $0x1;
	p4 =	sne.s32 s4, $0x0;
	s7 =	sadd.s32 s7, s1  }
0x10: {  	s1 =	sadd.s32 $0x1C00, s1;
	p3 =	sne.s32 @!p0 s4, $0x0;
	s6 =	sshrl.u32 s6, $0x3  }
0x11: {  	s4 =	simm.s32 $0x12400;
	[dreg:$0x9] =	wrdreg s1;
	s6 =	smul.u32 $0x300, s6  }
0x12: {  	s20 =	sadd.s32 $0x3000, s7;
	p1 =	por p3, p0;
	p3 =	por !p3, p0  }
0x13: {  	[dreg:$0xa] =	wrdreg s20;
	s7 =	sshll.u32 @!p1 s9, $0x6;
	s6 =	sadd.s32 s2, s6  }
0x14: {  	s2 =	ssub.s32 s21, s5;
	s22 =	sadd.s32 $0x1200, s6;
	[dreg:$0x12] =	wrdreg s6  }
0x15: {  	s5 =	sadd.s32 $0x100, s0;
	s23 =	sadd.s32 $0x2400, s6;
	[dreg:$0xb] =	wrdreg s22  }
0x16: {  	s21 =	simm.s32 $0xBC00;
	s24 =	sadd.s32 $0x3600, s6;
	[dreg:$0xc] =	wrdreg s23  }
0x17: {  	s25 =	sadd.s32 $0x4800, s6;
	s26 =	sadd.s32 $0x5A00, s6;
	[dreg:$0xd] =	wrdreg s24  }
0x18: {  	s6 =	sshll.u32 @p0 s9, $0x6;
	s20 =	smax.u32 s2, $0x1;
	[dreg:$0xe] =	wrdreg s25  }
0x19: {  	v2 =	vlaneseq.u32;
	s2 =	simm.s32 $0x4;
	[dreg:$0xf] =	wrdreg s26;
	s1 =	sor.u32 @p0 $0x1C07, s6  }
0x1a: {  	vm0 =	vmmov $0xffff;
	v1 =	vshrl.u32 v2, $0x3;
	s6 =	sadd.s32 $0x200, s0;
	[dreg:$0x10] =	wrdreg s1;
	s1 =	sor.u32 @!p1 $0x1C07, s7  }
0x1b: {  	v0 =	vand.u32 $0x7, v2;
	v2 =	vor.u32 $0x8, v2;
	v1 =	vmul.u32 $0x8, v1;
	s22 =	simm.s32 $0x9400;
	s23 =	simm.s32 $0xCC00;
	[dreg:$0x11] =	wrdreg s1  }
.LBB2_1:
0x1c: {  	s24 =	rddreg [dreg:$0x8]  }
0x1d: {  	s25 =	rddreg [dreg:$0x9]  }
0x1e: {  	s26 =	rddreg [dreg:$0x10]  }
0x1f: {  	[hbm:s24], [sflag:s26] =	dma.local @p0 [hbm:s25], $0x1400  }
0x20: {  	s24 =	rddreg [dreg:$0x6]  }
0x21: {  	s25 =	rddreg [dreg:$0x7]  }
0x22: {  	s26 =	rddreg [dreg:$0x11]  }
0x23: {  	[hbm:s25], [sflag:s26] =	dma.local @!p1 [hbm:s24], $0x1400  }
0x24: {  	s1 =	simm.s32 $0x8;
	s24 =	rddreg [dreg:$0xa]  }
0x25: {  	[tilespmem:s3], [sflag:$0x8] =	stream.linear.gather [hbm4b:s24+s3], $0x300, $0x38;
	[tilespmem:$0x1B400] =	vst v63  }
0x26: {  	_ =	swait.ge [sflag:s1], $0x300  }
0x27: {  	[sflag:s1] =	ssyncset.done $0x0  }
0x28: {  	[sflag:s1] =	ssyncadd.s32 $0xFFFFFD00  }
0x29: {  	v3 =	vld [tilespmem:$0x0];
	_ =	sdelay $0x4  }
0x2a: {  	v4 =	vshrl.u32 v3, $0x3  }
0x2b: {  	v4 =	vmul.u32 $0x30, v4  }
0x2c: {  	v3 =	vand.u32 $0x7, v3  }
0x2d: {  	v3 =	vor.u32 v3, v4  }
0x2e: {  	v4 =	vperm.xlane v3, v0;
	_ =	sdelay $0x1  }
0x2f: {  	v4 =	vadd.s32 v1, v4;
	_ =	sdelay $0x3  }
0x30: {  	s26 =	simm.s32 $0x400;
	v3 =	vperm.xlane v3, v2  }
0x31: {  	[tilespmem:s26], [sflag:$0x1] =	stream.indirect_vreg.gather [hbm4b:s0+s3], $0x80, v4, vm0, $0xb8;
	[tilespmem:$0x1B400] =	vst v63  }
0x32: {  	s25 =	simm.s32 $0xC00;
	v3 =	vadd.s32 v1, v3  }
0x33: {  	[tilespmem:s25], [sflag:$0x1] =	stream.indirect_vreg.gather [hbm4b:s5+s3], $0x80, v4, vm0, $0xb8;
	[tilespmem:$0x1B400] =	vst v63  }
0x34: {  	s26 =	simm.s32 $0x1400  }
0x35: {  	[tilespmem:s26], [sflag:$0x1] =	stream.indirect_vreg.gather [hbm4b:s6+s3], $0x80, v4, vm0, $0xb8;
	[tilespmem:$0x1B400] =	vst v63  }
0x36: {  	_ = 	snop  }
0x37: {  	[tilespmem:s29], [sflag:$0x1] =	stream.indirect_vreg.gather [hbm4b:s0+s3], $0x80, v3, vm0, $0xb8;
	[tilespmem:$0x1B400] =	vst v63  }
0x38: {  	_ = 	snop  }
0x39: {  	[tilespmem:s30], [sflag:$0x1] =	stream.indirect_vreg.gather [hbm4b:s5+s3], $0x80, v3, vm0, $0xb8;
	[tilespmem:$0x1B400] =	vst v63  }
0x3a: {  	_ = 	snop  }
0x3b: {  	[tilespmem:s31], [sflag:$0x1] =	stream.indirect_vreg.gather [hbm4b:s6+s3], $0x80, v3, vm0, $0xb8;
	[tilespmem:$0x1B400] =	vst v63  }
0x3c: {  	v3 =	vld [tilespmem:$0x10];
	_ =	sdelay $0x4  }
0x3d: {  	v47 =	vshrl.u32 v3, $0x3  }
0x3e: {  	v4 =	vmul.u32 $0x30, v47  }
0x3f: {  	v3 =	vand.u32 $0x7, v3  }
0x40: {  	v3 =	vor.u32 v3, v4  }
0x41: {  	v4 =	vperm.xlane v3, v0;
	_ =	sdelay $0x1  }
0x42: {  	v4 =	vadd.s32 v1, v4;
	_ =	sdelay $0x3  }
0x43: {  	v3 =	vperm.xlane v3, v2  }
0x44: {  	[tilespmem:s18], [sflag:$0x1] =	stream.indirect_vreg.gather [hbm4b:s0+s3], $0x80, v4, vm0, $0xb8;
	[tilespmem:$0x1B400] =	vst v63  }
0x45: {  	v3 =	vadd.s32 v1, v3  }
0x46: {  	[tilespmem:s19], [sflag:$0x1] =	stream.indirect_vreg.gather [hbm4b:s5+s3], $0x80, v4, vm0, $0xb8;
	[tilespmem:$0x1B400] =	vst v63  }
0x47: {  	s10 =	simm.s32 $0x4400  }
0x48: {  	[tilespmem:s10], [sflag:$0x1] =	stream.indirect_vreg.gather [hbm4b:s6+s3], $0x80, v4, vm0, $0xb8;
	[tilespmem:$0x1B400] =	vst v63  }
0x49: {  	s11 =	simm.s32 $0x4C00  }
0x4a: {  	[tilespmem:s11], [sflag:$0x1] =	stream.indirect_vreg.gather [hbm4b:s0+s3], $0x80, v3, vm0, $0xb8;
	[tilespmem:$0x1B400] =	vst v63  }
0x4b: {  	_ = 	snop  }
0x4c: {  	[tilespmem:s12], [sflag:$0x1] =	stream.indirect_vreg.gather [hbm4b:s5+s3], $0x80, v3, vm0, $0xb8;
	[tilespmem:$0x1B400] =	vst v63  }
0x4d: {  	_ = 	snop  }
0x4e: {  	[tilespmem:s13], [sflag:$0x1] =	stream.indirect_vreg.gather [hbm4b:s6+s3], $0x80, v3, vm0, $0xb8;
	[tilespmem:$0x1B400] =	vst v63  }
0x4f: {  	v3 =	vld [tilespmem:$0x20];
	_ =	sdelay $0x4  }
0x50: {  	v48 =	vshrl.u32 v3, $0x3  }
0x51: {  	v4 =	vmul.u32 $0x30, v48  }
0x52: {  	v3 =	vand.u32 $0x7, v3  }
0x53: {  	v3 =	vor.u32 v3, v4  }
0x54: {  	v4 =	vperm.xlane v3, v0;
	_ =	sdelay $0x1  }
0x55: {  	v4 =	vadd.s32 v1, v4;
	_ =	sdelay $0x3  }
0x56: {  	v3 =	vperm.xlane v3, v2  }
0x57: {  	[tilespmem:s14], [sflag:$0x1] =	stream.indirect_vreg.gather [hbm4b:s0+s3], $0x80, v4, vm0, $0xb8;
	[tilespmem:$0x1B400] =	vst v63  }
0x58: {  	v3 =	vadd.s32 v1, v3  }
0x59: {  	[tilespmem:s15], [sflag:$0x1] =	stream.indirect_vreg.gather [hbm4b:s5+s3], $0x80, v4, vm0, $0xb8;
	[tilespmem:$0x1B400] =	vst v63  }
0x5a: {  	_ = 	snop  }
0x5b: {  	[tilespmem:s16], [sflag:$0x1] =	stream.indirect_vreg.gather [hbm4b:s6+s3], $0x80, v4, vm0, $0xb8;
	[tilespmem:$0x1B400] =	vst v63  }
0x5c: {  	_ = 	snop  }
0x5d: {  	[tilespmem:s17], [sflag:$0x1] =	stream.indirect_vreg.gather [hbm4b:s0+s3], $0x80, v3, vm0, $0xb8;
	[tilespmem:$0x1B400] =	vst v63  }
0x5e: {  	s8 =	simm.s32 $0x8400  }
0x5f: {  	[tilespmem:s8], [sflag:$0x1] =	stream.indirect_vreg.gather [hbm4b:s5+s3], $0x80, v3, vm0, $0xb8;
	[tilespmem:$0x1B400] =	vst v63  }
0x60: {  	s9 =	simm.s32 $0x8C00  }
0x61: {  	[tilespmem:s9], [sflag:$0x1] =	stream.indirect_vreg.gather [hbm4b:s6+s3], $0x80, v3, vm0, $0xb8;
	[tilespmem:$0x1B400] =	vst v63  }
0x62: {  	v3 =	vld [tilespmem:$0x80];
	_ =	sdelay $0x4  }
0x63: {  	v49 =	vshrl.u32 v3, $0x3  }
0x64: {  	v4 =	vmul.u32 $0x30, v49  }
0x65: {  	v3 =	vand.u32 $0x7, v3  }
0x66: {  	v3 =	vor.u32 v3, v4  }
0x67: {  	v4 =	vperm.xlane v3, v0;
	_ =	sdelay $0x1  }
0x68: {  	v4 =	vadd.s32 v1, v4;
	_ =	sdelay $0x3  }
0x69: {  	v3 =	vperm.xlane v3, v2  }
0x6a: {  	[tilespmem:s22], [sflag:$0x2] =	stream.indirect_vreg.gather [hbm4b:s0+s3], $0x80, v4, vm0, $0xb8;
	[tilespmem:$0x1B400] =	vst v63  }
0x6b: {  	s7 =	simm.s32 $0x9C00;
	v3 =	vadd.s32 v1, v3  }
0x6c: {  	[tilespmem:s7], [sflag:$0x2] =	stream.indirect_vreg.gather [hbm4b:s5+s3], $0x80, v4, vm0, $0xb8;
	[tilespmem:$0x1B400] =	vst v63  }
0x6d: {  	s24 =	simm.s32 $0xA400  }
0x6e: {  	[tilespmem:s24], [sflag:$0x2] =	stream.indirect_vreg.gather [hbm4b:s6+s3], $0x80, v4, vm0, $0xb8;
	[tilespmem:$0x1B400] =	vst v63  }
0x6f: {  	s7 =	simm.s32 $0xAC00  }
0x70: {  	[tilespmem:s7], [sflag:$0x2] =	stream.indirect_vreg.gather [hbm4b:s0+s3], $0x80, v3, vm0, $0xb8;
	[tilespmem:$0x1B400] =	vst v63  }
0x71: {  	_ = 	snop  }
0x72: {  	[tilespmem:s28], [sflag:$0x2] =	stream.indirect_vreg.gather [hbm4b:s5+s3], $0x80, v3, vm0, $0xb8;
	[tilespmem:$0x1B400] =	vst v63  }
0x73: {  	_ = 	snop  }
0x74: {  	[tilespmem:s21], [sflag:$0x2] =	stream.indirect_vreg.gather [hbm4b:s6+s3], $0x80, v3, vm0, $0xb8;
	[tilespmem:$0x1B400] =	vst v63  }
0x75: {  	v3 =	vld [tilespmem:$0x90];
	_ =	sdelay $0x4  }
0x76: {  	v50 =	vshrl.u32 v3, $0x3  }
0x77: {  	v4 =	vmul.u32 $0x30, v50  }
0x78: {  	v3 =	vand.u32 $0x7, v3  }
0x79: {  	v3 =	vor.u32 v3, v4  }
0x7a: {  	v4 =	vperm.xlane v3, v0;
	_ =	sdelay $0x1  }
0x7b: {  	v4 =	vadd.s32 v1, v4;
	_ =	sdelay $0x3  }
0x7c: {  	s24 =	simm.s32 $0xC400;
	v3 =	vperm.xlane v3, v2  }
0x7d: {  	[tilespmem:s24], [sflag:$0x2] =	stream.indirect_vreg.gather [hbm4b:s0+s3], $0x80, v4, vm0, $0xb8;
	[tilespmem:$0x1B400] =	vst v63  }
0x7e: {  	v3 =	vadd.s32 v1, v3  }
0x7f: {  	[tilespmem:s23], [sflag:$0x2] =	stream.indirect_vreg.gather [hbm4b:s5+s3], $0x80, v4, vm0, $0xb8;
	[tilespmem:$0x1B400] =	vst v63  }
0x80: {  	s7 =	simm.s32 $0xD400  }
0x81: {  	[tilespmem:s7], [sflag:$0x2] =	stream.indirect_vreg.gather [hbm4b:s6+s3], $0x80, v4, vm0, $0xb8;
	[tilespmem:$0x1B400] =	vst v63  }
0x82: {  	s24 =	simm.s32 $0xDC00  }
0x83: {  	[tilespmem:s24], [sflag:$0x2] =	stream.indirect_vreg.gather [hbm4b:s0+s3], $0x80, v3, vm0, $0xb8;
	[tilespmem:$0x1B400] =	vst v63  }
0x84: {  	s7 =	simm.s32 $0xE400  }
0x85: {  	[tilespmem:s7], [sflag:$0x2] =	stream.indirect_vreg.gather [hbm4b:s5+s3], $0x80, v3, vm0, $0xb8;
	[tilespmem:$0x1B400] =	vst v63  }
0x86: {  	s24 =	simm.s32 $0xEC00  }
0x87: {  	[tilespmem:s24], [sflag:$0x2] =	stream.indirect_vreg.gather [hbm4b:s6+s3], $0x80, v3, vm0, $0xb8;
	[tilespmem:$0x1B400] =	vst v63  }
0x88: {  	v3 =	vld [tilespmem:$0xA0];
	_ =	sdelay $0x4  }
0x89: {  	v51 =	vshrl.u32 v3, $0x3  }
0x8a: {  	v4 =	vmul.u32 $0x30, v51  }
0x8b: {  	v3 =	vand.u32 $0x7, v3  }
0x8c: {  	v3 =	vor.u32 v3, v4  }
0x8d: {  	v4 =	vperm.xlane v3, v0;
	_ =	sdelay $0x1  }
0x8e: {  	v4 =	vadd.s32 v1, v4;
	_ =	sdelay $0x3  }
0x8f: {  	s7 =	simm.s32 $0xF400;
	v3 =	vperm.xlane v3, v2  }
0x90: {  	[tilespmem:s7], [sflag:$0x2] =	stream.indirect_vreg.gather [hbm4b:s0+s3], $0x80, v4, vm0, $0xb8;
	[tilespmem:$0x1B400] =	vst v63  }
0x91: {  	s24 =	simm.s32 $0xFC00;
	v3 =	vadd.s32 v1, v3  }
0x92: {  	[tilespmem:s24], [sflag:$0x2] =	stream.indirect_vreg.gather [hbm4b:s5+s3], $0x80, v4, vm0, $0xb8;
	[tilespmem:$0x1B400] =	vst v63  }
0x93: {  	s7 =	simm.s32 $0x10400  }
0x94: {  	[tilespmem:s7], [sflag:$0x2] =	stream.indirect_vreg.gather [hbm4b:s6+s3], $0x80, v4, vm0, $0xb8;
	[tilespmem:$0x1B400] =	vst v63  }
0x95: {  	s24 =	simm.s32 $0x10C00  }
0x96: {  	[tilespmem:s24], [sflag:$0x2] =	stream.indirect_vreg.gather [hbm4b:s0+s3], $0x80, v3, vm0, $0xb8;
	[tilespmem:$0x1B400] =	vst v63  }
0x97: {  	s7 =	simm.s32 $0x11400  }
0x98: {  	[tilespmem:s7], [sflag:$0x2] =	stream.indirect_vreg.gather [hbm4b:s5+s3], $0x80, v3, vm0, $0xb8;
	[tilespmem:$0x1B400] =	vst v63  }
0x99: {  	s24 =	simm.s32 $0x11C00  }
0x9a: {  	[tilespmem:s24], [sflag:$0x2] =	stream.indirect_vreg.gather [hbm4b:s6+s3], $0x80, v3, vm0, $0xb8;
	[tilespmem:$0x1B400] =	vst v63  }
0x9b: {  	v3 =	vld [tilespmem:$0x100];
	_ =	sdelay $0x4  }
0x9c: {  	v52 =	vshrl.u32 v3, $0x3  }
0x9d: {  	v4 =	vmul.u32 $0x30, v52  }
0x9e: {  	v3 =	vand.u32 $0x7, v3  }
0x9f: {  	v3 =	vor.u32 v3, v4  }
0xa0: {  	v4 =	vperm.xlane v3, v0;
	_ =	sdelay $0x1  }
0xa1: {  	v4 =	vadd.s32 v1, v4;
	_ =	sdelay $0x3  }
0xa2: {  	v3 =	vperm.xlane v3, v2  }
0xa3: {  	[tilespmem:s4], [sflag:$0x3] =	stream.indirect_vreg.gather [hbm4b:s0+s3], $0x80, v4, vm0, $0xb8;
	[tilespmem:$0x1B400] =	vst v63  }
0xa4: {  	s7 =	simm.s32 $0x12C00;
	v3 =	vadd.s32 v1, v3  }
0xa5: {  	[tilespmem:s7], [sflag:$0x3] =	stream.indirect_vreg.gather [hbm4b:s5+s3], $0x80, v4, vm0, $0xb8;
	[tilespmem:$0x1B400] =	vst v63  }
0xa6: {  	s24 =	simm.s32 $0x13400  }
0xa7: {  	[tilespmem:s24], [sflag:$0x3] =	stream.indirect_vreg.gather [hbm4b:s6+s3], $0x80, v4, vm0, $0xb8;
	[tilespmem:$0x1B400] =	vst v63  }
0xa8: {  	s7 =	simm.s32 $0x13C00  }
0xa9: {  	[tilespmem:s7], [sflag:$0x3] =	stream.indirect_vreg.gather [hbm4b:s0+s3], $0x80, v3, vm0, $0xb8;
	[tilespmem:$0x1B400] =	vst v63  }
0xaa: {  	s24 =	simm.s32 $0x14400  }
0xab: {  	[tilespmem:s24], [sflag:$0x3] =	stream.indirect_vreg.gather [hbm4b:s5+s3], $0x80, v3, vm0, $0xb8;
	[tilespmem:$0x1B400] =	vst v63  }
0xac: {  	s7 =	simm.s32 $0x14C00  }
0xad: {  	[tilespmem:s7], [sflag:$0x3] =	stream.indirect_vreg.gather [hbm4b:s6+s3], $0x80, v3, vm0, $0xb8;
	[tilespmem:$0x1B400] =	vst v63  }
0xae: {  	v3 =	vld [tilespmem:$0x110];
	_ =	sdelay $0x4  }
0xaf: {  	v53 =	vshrl.u32 v3, $0x3  }
0xb0: {  	v4 =	vmul.u32 $0x30, v53  }
0xb1: {  	v3 =	vand.u32 $0x7, v3  }
0xb2: {  	v3 =	vor.u32 v3, v4  }
0xb3: {  	v4 =	vperm.xlane v3, v0;
	_ =	sdelay $0x1  }
0xb4: {  	v4 =	vadd.s32 v1, v4;
	_ =	sdelay $0x3  }
0xb5: {  	s24 =	simm.s32 $0x15400;
	v3 =	vperm.xlane v3, v2  }
0xb6: {  	[tilespmem:s24], [sflag:$0x3] =	stream.indirect_vreg.gather [hbm4b:s0+s3], $0x80, v4, vm0, $0xb8;
	[tilespmem:$0x1B400] =	vst v63  }
0xb7: {  	s7 =	simm.s32 $0x15C00;
	v3 =	vadd.s32 v1, v3  }
0xb8: {  	[tilespmem:s7], [sflag:$0x3] =	stream.indirect_vreg.gather [hbm4b:s5+s3], $0x80, v4, vm0, $0xb8;
	[tilespmem:$0x1B400] =	vst v63  }
0xb9: {  	s24 =	simm.s32 $0x16400  }
0xba: {  	[tilespmem:s24], [sflag:$0x3] =	stream.indirect_vreg.gather [hbm4b:s6+s3], $0x80, v4, vm0, $0xb8;
	[tilespmem:$0x1B400] =	vst v63  }
0xbb: {  	s7 =	simm.s32 $0x16C00  }
0xbc: {  	[tilespmem:s7], [sflag:$0x3] =	stream.indirect_vreg.gather [hbm4b:s0+s3], $0x80, v3, vm0, $0xb8;
	[tilespmem:$0x1B400] =	vst v63  }
0xbd: {  	s24 =	simm.s32 $0x17400  }
0xbe: {  	[tilespmem:s24], [sflag:$0x3] =	stream.indirect_vreg.gather [hbm4b:s5+s3], $0x80, v3, vm0, $0xb8;
	[tilespmem:$0x1B400] =	vst v63  }
0xbf: {  	s7 =	simm.s32 $0x17C00  }
0xc0: {  	[tilespmem:s7], [sflag:$0x3] =	stream.indirect_vreg.gather [hbm4b:s6+s3], $0x80, v3, vm0, $0xb8;
	[tilespmem:$0x1B400] =	vst v63  }
0xc1: {  	v3 =	vld [tilespmem:$0x120];
	_ =	sdelay $0x4  }
0xc2: {  	v54 =	vshrl.u32 v3, $0x3  }
0xc3: {  	v4 =	vmul.u32 $0x30, v54  }
0xc4: {  	v3 =	vand.u32 $0x7, v3  }
0xc5: {  	v3 =	vor.u32 v3, v4  }
0xc6: {  	v4 =	vperm.xlane v3, v0;
	_ =	sdelay $0x1  }
0xc7: {  	v4 =	vadd.s32 v1, v4;
	_ =	sdelay $0x3  }
0xc8: {  	s24 =	simm.s32 $0x18400;
	v3 =	vperm.xlane v3, v2  }
0xc9: {  	[tilespmem:s24], [sflag:$0x3] =	stream.indirect_vreg.gather [hbm4b:s0+s3], $0x80, v4, vm0, $0xb8;
	[tilespmem:$0x1B400] =	vst v63  }
0xca: {  	s7 =	simm.s32 $0x18C00;
	v3 =	vadd.s32 v1, v3  }
0xcb: {  	[tilespmem:s7], [sflag:$0x3] =	stream.indirect_vreg.gather [hbm4b:s5+s3], $0x80, v4, vm0, $0xb8;
	[tilespmem:$0x1B400] =	vst v63  }
0xcc: {  	s24 =	simm.s32 $0x19400  }
0xcd: {  	[tilespmem:s24], [sflag:$0x3] =	stream.indirect_vreg.gather [hbm4b:s6+s3], $0x80, v4, vm0, $0xb8;
	[tilespmem:$0x1B400] =	vst v63  }
0xce: {  	s7 =	simm.s32 $0x19C00  }
0xcf: {  	[tilespmem:s7], [sflag:$0x3] =	stream.indirect_vreg.gather [hbm4b:s0+s3], $0x80, v3, vm0, $0xb8;
	[tilespmem:$0x1B400] =	vst v63  }
0xd0: {  	s24 =	simm.s32 $0x1A400  }
0xd1: {  	[tilespmem:s24], [sflag:$0x3] =	stream.indirect_vreg.gather [hbm4b:s5+s3], $0x80, v3, vm0, $0xb8;
	[tilespmem:$0x1B400] =	vst v63  }
0xd2: {  	s1 =	simm.s32 $0x1;
	s7 =	simm.s32 $0x1AC00  }
0xd3: {  	[tilespmem:s7], [sflag:$0x3] =	stream.indirect_vreg.gather [hbm4b:s6+s3], $0x80, v3, vm0, $0xb8;
	[tilespmem:$0x1B400] =	vst v63  }
0xd4: {  	_ =	swait.ge [sflag:s1], $0x9000  }
0xd5: {  	[sflag:s1] =	ssyncset.done $0x0  }
0xd6: {  	s7 =	simm.s32 $0x400;
	s24 =	rddreg [dreg:$0x12];
	[sflag:s1] =	ssyncadd.s32 $0xFFFF7000  }
0xd7: {  	[hbm4b:s24+s3] =	stream.linear.scatter [tilespmem:s7], [sflag:$0x4], $0x9000, $0x38;
	[tilespmem:$0x1B400] =	vst v63  }
0xd8: {  	_ =	swait.ge [sflag:s2], $0x9000  }
0xd9: {  	[sflag:s2] =	ssyncset.done $0x0  }
0xda: {  	[sflag:s2] =	ssyncadd.s32 $0xFFFF7000  }
0xdb: {  	v3 =	vld [tilespmem:$0x180];
	_ =	sdelay $0x4  }
0xdc: {  	v55 =	vshrl.u32 v3, $0x3  }
0xdd: {  	v4 =	vmul.u32 $0x30, v55  }
0xde: {  	v3 =	vand.u32 $0x7, v3  }
0xdf: {  	v3 =	vor.u32 v3, v4  }
0xe0: {  	v4 =	vperm.xlane v3, v0;
	_ =	sdelay $0x1  }
0xe1: {  	v4 =	vadd.s32 v1, v4;
	_ =	sdelay $0x3  }
0xe2: {  	v3 =	vperm.xlane v3, v2  }
0xe3: {  	[tilespmem:s7], [sflag:$0x1] =	stream.indirect_vreg.gather [hbm4b:s0+s3], $0x80, v4, vm0, $0xb8;
	[tilespmem:$0x1B400] =	vst v63  }
0xe4: {  	v3 =	vadd.s32 v1, v3  }
0xe5: {  	[tilespmem:s25], [sflag:$0x1] =	stream.indirect_vreg.gather [hbm4b:s5+s3], $0x80, v4, vm0, $0xb8;
	[tilespmem:$0x1B400] =	vst v63  }
0xe6: {  	_ = 	snop  }
0xe7: {  	[tilespmem:s26], [sflag:$0x1] =	stream.indirect_vreg.gather [hbm4b:s6+s3], $0x80, v4, vm0, $0xb8;
	[tilespmem:$0x1B400] =	vst v63  }
0xe8: {  	_ = 	snop  }
0xe9: {  	[tilespmem:s29], [sflag:$0x1] =	stream.indirect_vreg.gather [hbm4b:s0+s3], $0x80, v3, vm0, $0xb8;
	[tilespmem:$0x1B400] =	vst v63  }
0xea: {  	_ = 	snop  }
0xeb: {  	[tilespmem:s30], [sflag:$0x1] =	stream.indirect_vreg.gather [hbm4b:s5+s3], $0x80, v3, vm0, $0xb8;
	[tilespmem:$0x1B400] =	vst v63  }
0xec: {  	_ = 	snop  }
0xed: {  	[tilespmem:s31], [sflag:$0x1] =	stream.indirect_vreg.gather [hbm4b:s6+s3], $0x80, v3, vm0, $0xb8;
	[tilespmem:$0x1B400] =	vst v63  }
0xee: {  	v3 =	vld [tilespmem:$0x190];
	_ =	sdelay $0x4  }
0xef: {  	v56 =	vshrl.u32 v3, $0x3  }
0xf0: {  	v4 =	vmul.u32 $0x30, v56  }
0xf1: {  	v3 =	vand.u32 $0x7, v3  }
0xf2: {  	v3 =	vor.u32 v3, v4  }
0xf3: {  	v4 =	vperm.xlane v3, v0;
	_ =	sdelay $0x1  }
0xf4: {  	v4 =	vadd.s32 v1, v4;
	_ =	sdelay $0x3  }
0xf5: {  	v3 =	vperm.xlane v3, v2  }
0xf6: {  	[tilespmem:s18], [sflag:$0x1] =	stream.indirect_vreg.gather [hbm4b:s0+s3], $0x80, v4, vm0, $0xb8;
	[tilespmem:$0x1B400] =	vst v63  }
0xf7: {  	v3 =	vadd.s32 v1, v3  }
0xf8: {  	[tilespmem:s19], [sflag:$0x1] =	stream.indirect_vreg.gather [hbm4b:s5+s3], $0x80, v4, vm0, $0xb8;
	[tilespmem:$0x1B400] =	vst v63  }
0xf9: {  	_ = 	snop  }
0xfa: {  	[tilespmem:s10], [sflag:$0x1] =	stream.indirect_vreg.gather [hbm4b:s6+s3], $0x80, v4, vm0, $0xb8;
	[tilespmem:$0x1B400] =	vst v63  }
0xfb: {  	_ = 	snop  }
0xfc: {  	[tilespmem:s11], [sflag:$0x1] =	stream.indirect_vreg.gather [hbm4b:s0+s3], $0x80, v3, vm0, $0xb8;
	[tilespmem:$0x1B400] =	vst v63  }
0xfd: {  	_ = 	snop  }
0xfe: {  	[tilespmem:s12], [sflag:$0x1] =	stream.indirect_vreg.gather [hbm4b:s5+s3], $0x80, v3, vm0, $0xb8;
	[tilespmem:$0x1B400] =	vst v63  }
0xff: {  	_ = 	snop  }
0x100: {  	[tilespmem:s13], [sflag:$0x1] =	stream.indirect_vreg.gather [hbm4b:s6+s3], $0x80, v3, vm0, $0xb8;
	[tilespmem:$0x1B400] =	vst v63  }
0x101: {  	v3 =	vld [tilespmem:$0x1A0];
	_ =	sdelay $0x4  }
0x102: {  	v57 =	vshrl.u32 v3, $0x3  }
0x103: {  	v4 =	vmul.u32 $0x30, v57  }
0x104: {  	v3 =	vand.u32 $0x7, v3  }
0x105: {  	v3 =	vor.u32 v3, v4  }
0x106: {  	v4 =	vperm.xlane v3, v0;
	_ =	sdelay $0x1  }
0x107: {  	v4 =	vadd.s32 v1, v4;
	_ =	sdelay $0x3  }
0x108: {  	v3 =	vperm.xlane v3, v2  }
0x109: {  	[tilespmem:s14], [sflag:$0x1] =	stream.indirect_vreg.gather [hbm4b:s0+s3], $0x80, v4, vm0, $0xb8;
	[tilespmem:$0x1B400] =	vst v63  }
0x10a: {  	v3 =	vadd.s32 v1, v3  }
0x10b: {  	[tilespmem:s15], [sflag:$0x1] =	stream.indirect_vreg.gather [hbm4b:s5+s3], $0x80, v4, vm0, $0xb8;
	[tilespmem:$0x1B400] =	vst v63  }
0x10c: {  	_ = 	snop  }
0x10d: {  	[tilespmem:s16], [sflag:$0x1] =	stream.indirect_vreg.gather [hbm4b:s6+s3], $0x80, v4, vm0, $0xb8;
	[tilespmem:$0x1B400] =	vst v63  }
0x10e: {  	_ = 	snop  }
0x10f: {  	[tilespmem:s17], [sflag:$0x1] =	stream.indirect_vreg.gather [hbm4b:s0+s3], $0x80, v3, vm0, $0xb8;
	[tilespmem:$0x1B400] =	vst v63  }
0x110: {  	_ = 	snop  }
0x111: {  	[tilespmem:s8], [sflag:$0x1] =	stream.indirect_vreg.gather [hbm4b:s5+s3], $0x80, v3, vm0, $0xb8;
	[tilespmem:$0x1B400] =	vst v63  }
0x112: {  	s8 =	simm.s32 $0x2  }
0x113: {  	[tilespmem:s9], [sflag:$0x1] =	stream.indirect_vreg.gather [hbm4b:s6+s3], $0x80, v3, vm0, $0xb8;
	[tilespmem:$0x1B400] =	vst v63  }
0x114: {  	_ =	swait.ge [sflag:s8], $0x9000  }
0x115: {  	[sflag:s8] =	ssyncset.done $0x0  }
0x116: {  	s9 =	simm.s32 $0x5;
	s11 =	rddreg [dreg:$0xb];
	[sflag:s8] =	ssyncadd.s32 $0xFFFF7000  }
0x117: {  	[hbm4b:s11+s3] =	stream.linear.scatter [tilespmem:s22], [sflag:$0x5], $0x9000, $0x38;
	[tilespmem:$0x1B400] =	vst v63  }
0x118: {  	_ =	swait.ge [sflag:s9], $0x9000  }
0x119: {  	[sflag:s9] =	ssyncset.done $0x0  }
0x11a: {  	[sflag:s9] =	ssyncadd.s32 $0xFFFF7000  }
0x11b: {  	v3 =	vld [tilespmem:$0x200];
	_ =	sdelay $0x4  }
0x11c: {  	v58 =	vshrl.u32 v3, $0x3  }
0x11d: {  	v4 =	vmul.u32 $0x30, v58  }
0x11e: {  	v3 =	vand.u32 $0x7, v3  }
0x11f: {  	v3 =	vor.u32 v3, v4  }
0x120: {  	v4 =	vperm.xlane v3, v0;
	_ =	sdelay $0x1  }
0x121: {  	v4 =	vadd.s32 v1, v4;
	_ =	sdelay $0x3  }
0x122: {  	v3 =	vperm.xlane v3, v2  }
0x123: {  	[tilespmem:s22], [sflag:$0x2] =	stream.indirect_vreg.gather [hbm4b:s0+s3], $0x80, v4, vm0, $0xb8;
	[tilespmem:$0x1B400] =	vst v63  }
0x124: {  	s24 =	simm.s32 $0x9C00;
	v3 =	vadd.s32 v1, v3  }
0x125: {  	[tilespmem:s24], [sflag:$0x2] =	stream.indirect_vreg.gather [hbm4b:s5+s3], $0x80, v4, vm0, $0xb8;
	[tilespmem:$0x1B400] =	vst v63  }
0x126: {  	s25 =	simm.s32 $0xA400  }
0x127: {  	[tilespmem:s25], [sflag:$0x2] =	stream.indirect_vreg.gather [hbm4b:s6+s3], $0x80, v4, vm0, $0xb8;
	[tilespmem:$0x1B400] =	vst v63  }
0x128: {  	s26 =	simm.s32 $0xAC00  }
0x129: {  	[tilespmem:s26], [sflag:$0x2] =	stream.indirect_vreg.gather [hbm4b:s0+s3], $0x80, v3, vm0, $0xb8;
	[tilespmem:$0x1B400] =	vst v63  }
0x12a: {  	_ = 	snop  }
0x12b: {  	[tilespmem:s28], [sflag:$0x2] =	stream.indirect_vreg.gather [hbm4b:s5+s3], $0x80, v3, vm0, $0xb8;
	[tilespmem:$0x1B400] =	vst v63  }
0x12c: {  	_ = 	snop  }
0x12d: {  	[tilespmem:s21], [sflag:$0x2] =	stream.indirect_vreg.gather [hbm4b:s6+s3], $0x80, v3, vm0, $0xb8;
	[tilespmem:$0x1B400] =	vst v63  }
0x12e: {  	v3 =	vld [tilespmem:$0x210];
	_ =	sdelay $0x4  }
0x12f: {  	v59 =	vshrl.u32 v3, $0x3  }
0x130: {  	v4 =	vmul.u32 $0x30, v59  }
0x131: {  	v3 =	vand.u32 $0x7, v3  }
0x132: {  	v3 =	vor.u32 v3, v4  }
0x133: {  	v4 =	vperm.xlane v3, v0;
	_ =	sdelay $0x1  }
0x134: {  	v4 =	vadd.s32 v1, v4;
	_ =	sdelay $0x3  }
0x135: {  	s10 =	simm.s32 $0xC400;
	v3 =	vperm.xlane v3, v2  }
0x136: {  	[tilespmem:s10], [sflag:$0x2] =	stream.indirect_vreg.gather [hbm4b:s0+s3], $0x80, v4, vm0, $0xb8;
	[tilespmem:$0x1B400] =	vst v63  }
0x137: {  	v3 =	vadd.s32 v1, v3  }
0x138: {  	[tilespmem:s23], [sflag:$0x2] =	stream.indirect_vreg.gather [hbm4b:s5+s3], $0x80, v4, vm0, $0xb8;
	[tilespmem:$0x1B400] =	vst v63  }
0x139: {  	s11 =	simm.s32 $0xD400  }
0x13a: {  	[tilespmem:s11], [sflag:$0x2] =	stream.indirect_vreg.gather [hbm4b:s6+s3], $0x80, v4, vm0, $0xb8;
	[tilespmem:$0x1B400] =	vst v63  }
0x13b: {  	s24 =	simm.s32 $0xDC00  }
0x13c: {  	[tilespmem:s24], [sflag:$0x2] =	stream.indirect_vreg.gather [hbm4b:s0+s3], $0x80, v3, vm0, $0xb8;
	[tilespmem:$0x1B400] =	vst v63  }
0x13d: {  	s25 =	simm.s32 $0xE400  }
0x13e: {  	[tilespmem:s25], [sflag:$0x2] =	stream.indirect_vreg.gather [hbm4b:s5+s3], $0x80, v3, vm0, $0xb8;
	[tilespmem:$0x1B400] =	vst v63  }
0x13f: {  	s26 =	simm.s32 $0xEC00  }
0x140: {  	[tilespmem:s26], [sflag:$0x2] =	stream.indirect_vreg.gather [hbm4b:s6+s3], $0x80, v3, vm0, $0xb8;
	[tilespmem:$0x1B400] =	vst v63  }
0x141: {  	v3 =	vld [tilespmem:$0x220];
	_ =	sdelay $0x4  }
0x142: {  	v60 =	vshrl.u32 v3, $0x3  }
0x143: {  	v4 =	vmul.u32 $0x30, v60  }
0x144: {  	v3 =	vand.u32 $0x7, v3  }
0x145: {  	v3 =	vor.u32 v3, v4  }
0x146: {  	v4 =	vperm.xlane v3, v0;
	_ =	sdelay $0x1  }
0x147: {  	v4 =	vadd.s32 v1, v4;
	_ =	sdelay $0x3  }
0x148: {  	s10 =	simm.s32 $0xF400;
	v3 =	vperm.xlane v3, v2  }
0x149: {  	[tilespmem:s10], [sflag:$0x2] =	stream.indirect_vreg.gather [hbm4b:s0+s3], $0x80, v4, vm0, $0xb8;
	[tilespmem:$0x1B400] =	vst v63  }
0x14a: {  	s11 =	simm.s32 $0xFC00;
	v3 =	vadd.s32 v1, v3  }
0x14b: {  	[tilespmem:s11], [sflag:$0x2] =	stream.indirect_vreg.gather [hbm4b:s5+s3], $0x80, v4, vm0, $0xb8;
	[tilespmem:$0x1B400] =	vst v63  }
0x14c: {  	s24 =	simm.s32 $0x10400  }
0x14d: {  	[tilespmem:s24], [sflag:$0x2] =	stream.indirect_vreg.gather [hbm4b:s6+s3], $0x80, v4, vm0, $0xb8;
	[tilespmem:$0x1B400] =	vst v63  }
0x14e: {  	s25 =	simm.s32 $0x10C00  }
0x14f: {  	[tilespmem:s25], [sflag:$0x2] =	stream.indirect_vreg.gather [hbm4b:s0+s3], $0x80, v3, vm0, $0xb8;
	[tilespmem:$0x1B400] =	vst v63  }
0x150: {  	s26 =	simm.s32 $0x11400  }
0x151: {  	[tilespmem:s26], [sflag:$0x2] =	stream.indirect_vreg.gather [hbm4b:s5+s3], $0x80, v3, vm0, $0xb8;
	[tilespmem:$0x1B400] =	vst v63  }
0x152: {  	s10 =	simm.s32 $0x11C00  }
0x153: {  	[tilespmem:s10], [sflag:$0x2] =	stream.indirect_vreg.gather [hbm4b:s6+s3], $0x80, v3, vm0, $0xb8;
	[tilespmem:$0x1B400] =	vst v63  }
0x154: {  	s10 =	simm.s32 $0x3  }
0x155: {  	_ =	swait.ge [sflag:s10], $0x9000  }
0x156: {  	[sflag:s10] =	ssyncset.done $0x0  }
0x157: {  	s11 =	rddreg [dreg:$0xc];
	[sflag:s10] =	ssyncadd.s32 $0xFFFF7000  }
0x158: {  	[hbm4b:s11+s3] =	stream.linear.scatter [tilespmem:s4], [sflag:$0x6], $0x9000, $0x38;
	[tilespmem:$0x1B400] =	vst v63  }
0x159: {  	s11 =	simm.s32 $0x6  }
0x15a: {  	_ =	swait.ge [sflag:s11], $0x9000  }
0x15b: {  	[sflag:s11] =	ssyncset.done $0x0  }
0x15c: {  	[sflag:s11] =	ssyncadd.s32 $0xFFFF7000  }
0x15d: {  	v3 =	vld [tilespmem:$0x280];
	_ =	sdelay $0x4  }
0x15e: {  	v61 =	vshrl.u32 v3, $0x3  }
0x15f: {  	v4 =	vmul.u32 $0x30, v61  }
0x160: {  	v3 =	vand.u32 $0x7, v3  }
0x161: {  	v3 =	vor.u32 v3, v4  }
0x162: {  	v4 =	vperm.xlane v3, v0;
	_ =	sdelay $0x1  }
0x163: {  	v4 =	vadd.s32 v1, v4;
	_ =	sdelay $0x3  }
0x164: {  	v3 =	vperm.xlane v3, v2  }
0x165: {  	[tilespmem:s4], [sflag:$0x3] =	stream.indirect_vreg.gather [hbm4b:s0+s3], $0x80, v4, vm0, $0xb8;
	[tilespmem:$0x1B400] =	vst v63  }
0x166: {  	s24 =	simm.s32 $0x12C00;
	v3 =	vadd.s32 v1, v3  }
0x167: {  	[tilespmem:s24], [sflag:$0x3] =	stream.indirect_vreg.gather [hbm4b:s5+s3], $0x80, v4, vm0, $0xb8;
	[tilespmem:$0x1B400] =	vst v63  }
0x168: {  	s25 =	simm.s32 $0x13400  }
0x169: {  	[tilespmem:s25], [sflag:$0x3] =	stream.indirect_vreg.gather [hbm4b:s6+s3], $0x80, v4, vm0, $0xb8;
	[tilespmem:$0x1B400] =	vst v63  }
0x16a: {  	s26 =	simm.s32 $0x13C00  }
0x16b: {  	[tilespmem:s26], [sflag:$0x3] =	stream.indirect_vreg.gather [hbm4b:s0+s3], $0x80, v3, vm0, $0xb8;
	[tilespmem:$0x1B400] =	vst v63  }
0x16c: {  	s24 =	simm.s32 $0x14400  }
0x16d: {  	[tilespmem:s24], [sflag:$0x3] =	stream.indirect_vreg.gather [hbm4b:s5+s3], $0x80, v3, vm0, $0xb8;
	[tilespmem:$0x1B400] =	vst v63  }
0x16e: {  	s25 =	simm.s32 $0x14C00  }
0x16f: {  	[tilespmem:s25], [sflag:$0x3] =	stream.indirect_vreg.gather [hbm4b:s6+s3], $0x80, v3, vm0, $0xb8;
	[tilespmem:$0x1B400] =	vst v63  }
0x170: {  	v3 =	vld [tilespmem:$0x290];
	_ =	sdelay $0x4  }
0x171: {  	v62 =	vshrl.u32 v3, $0x3  }
0x172: {  	v4 =	vmul.u32 $0x30, v62  }
0x173: {  	v3 =	vand.u32 $0x7, v3  }
0x174: {  	v3 =	vor.u32 v3, v4  }
0x175: {  	v4 =	vperm.xlane v3, v0;
	_ =	sdelay $0x1  }
0x176: {  	v4 =	vadd.s32 v1, v4;
	_ =	sdelay $0x3  }
0x177: {  	s26 =	simm.s32 $0x15400;
	v3 =	vperm.xlane v3, v2  }
0x178: {  	[tilespmem:s26], [sflag:$0x3] =	stream.indirect_vreg.gather [hbm4b:s0+s3], $0x80, v4, vm0, $0xb8;
	[tilespmem:$0x1B400] =	vst v63  }
0x179: {  	s24 =	simm.s32 $0x15C00;
	v3 =	vadd.s32 v1, v3  }
0x17a: {  	[tilespmem:s24], [sflag:$0x3] =	stream.indirect_vreg.gather [hbm4b:s5+s3], $0x80, v4, vm0, $0xb8;
	[tilespmem:$0x1B400] =	vst v63  }
0x17b: {  	s25 =	simm.s32 $0x16400  }
0x17c: {  	[tilespmem:s25], [sflag:$0x3] =	stream.indirect_vreg.gather [hbm4b:s6+s3], $0x80, v4, vm0, $0xb8;
	[tilespmem:$0x1B400] =	vst v63  }
0x17d: {  	s26 =	simm.s32 $0x16C00  }
0x17e: {  	[tilespmem:s26], [sflag:$0x3] =	stream.indirect_vreg.gather [hbm4b:s0+s3], $0x80, v3, vm0, $0xb8;
	[tilespmem:$0x1B400] =	vst v63  }
0x17f: {  	s24 =	simm.s32 $0x17400  }
0x180: {  	[tilespmem:s24], [sflag:$0x3] =	stream.indirect_vreg.gather [hbm4b:s5+s3], $0x80, v3, vm0, $0xb8;
	[tilespmem:$0x1B400] =	vst v63  }
0x181: {  	s25 =	simm.s32 $0x17C00  }
0x182: {  	[tilespmem:s25], [sflag:$0x3] =	stream.indirect_vreg.gather [hbm4b:s6+s3], $0x80, v3, vm0, $0xb8;
	[tilespmem:$0x1B400] =	vst v63  }
0x183: {  	v3 =	vld [tilespmem:$0x2A0];
	_ =	sdelay $0x4  }
0x184: {  	v63 =	vshrl.u32 v3, $0x3  }
0x185: {  	v4 =	vmul.u32 $0x30, v63  }
0x186: {  	v3 =	vand.u32 $0x7, v3  }
0x187: {  	v3 =	vor.u32 v3, v4  }
0x188: {  	v4 =	vperm.xlane v3, v0;
	_ =	sdelay $0x1  }
0x189: {  	v4 =	vadd.s32 v1, v4;
	_ =	sdelay $0x3  }
0x18a: {  	s26 =	simm.s32 $0x18400;
	v3 =	vperm.xlane v3, v2  }
0x18b: {  	[tilespmem:s26], [sflag:$0x3] =	stream.indirect_vreg.gather [hbm4b:s0+s3], $0x80, v4, vm0, $0xb8;
	[tilespmem:$0x1B400] =	vst v63  }
0x18c: {  	s24 =	simm.s32 $0x18C00;
	v3 =	vadd.s32 v1, v3  }
0x18d: {  	[tilespmem:s24], [sflag:$0x3] =	stream.indirect_vreg.gather [hbm4b:s5+s3], $0x80, v4, vm0, $0xb8;
	[tilespmem:$0x1B400] =	vst v63  }
0x18e: {  	s25 =	simm.s32 $0x19400  }
0x18f: {  	[tilespmem:s25], [sflag:$0x3] =	stream.indirect_vreg.gather [hbm4b:s6+s3], $0x80, v4, vm0, $0xb8;
	[tilespmem:$0x1B400] =	vst v63  }
0x190: {  	s26 =	simm.s32 $0x19C00  }
0x191: {  	[tilespmem:s26], [sflag:$0x3] =	stream.indirect_vreg.gather [hbm4b:s0+s3], $0x80, v3, vm0, $0xb8;
	[tilespmem:$0x1B400] =	vst v63  }
0x192: {  	s24 =	simm.s32 $0x1A400  }
0x193: {  	[tilespmem:s24], [sflag:$0x3] =	stream.indirect_vreg.gather [hbm4b:s5+s3], $0x80, v3, vm0, $0xb8;
	[tilespmem:$0x1B400] =	vst v63  }
0x194: {  	s25 =	simm.s32 $0x1AC00  }
0x195: {  	[tilespmem:s25], [sflag:$0x3] =	stream.indirect_vreg.gather [hbm4b:s6+s3], $0x80, v3, vm0, $0xb8;
	[tilespmem:$0x1B400] =	vst v63  }
0x196: {  	_ =	swait.ge [sflag:s1], $0x9000  }
0x197: {  	[sflag:s1] =	ssyncset.done $0x0  }
0x198: {  	s7 =	simm.s32 $0x400;
	s26 =	rddreg [dreg:$0xd];
	[sflag:s1] =	ssyncadd.s32 $0xFFFF7000  }
0x199: {  	[hbm4b:s26+s3] =	stream.linear.scatter [tilespmem:s7], [sflag:$0x4], $0x9000, $0x38;
	[tilespmem:$0x1B400] =	vst v63  }
0x19a: {  	_ =	swait.ge [sflag:s8], $0x9000  }
0x19b: {  	[sflag:s8] =	ssyncset.done $0x0  }
0x19c: {  	s25 =	rddreg [dreg:$0xe];
	[sflag:s8] =	ssyncadd.s32 $0xFFFF7000  }
0x19d: {  	[hbm4b:s25+s3] =	stream.linear.scatter [tilespmem:s22], [sflag:$0x5], $0x9000, $0x38;
	[tilespmem:$0x1B400] =	vst v63  }
0x19e: {  	_ =	swait.ge [sflag:s10], $0x9000  }
0x19f: {  	[sflag:s10] =	ssyncset.done $0x0  }
0x1a0: {  	s26 =	rddreg [dreg:$0xf];
	[sflag:s10] =	ssyncadd.s32 $0xFFFF7000  }
0x1a1: {  	[hbm4b:s26+s3] =	stream.linear.scatter [tilespmem:s4], [sflag:$0x6], $0x9000, $0x38;
	[tilespmem:$0x1B400] =	vst v63  }
0x1a2: {  	_ =	swait.ge [sflag:s2], $0x9000  }
0x1a3: {  	[sflag:s2] =	ssyncset.done $0x0  }
0x1a4: {  	[sflag:s2] =	ssyncadd.s32 $0xFFFF7000  }
0x1a5: {  	_ =	swait.ge [sflag:s9], $0x9000  }
0x1a6: {  	[sflag:s9] =	ssyncset.done $0x0  }
0x1a7: {  	[sflag:s9] =	ssyncadd.s32 $0xFFFF7000  }
0x1a8: {  	p5 =	por @!p1 $0x0, $0x0;
	_ =	swait.ge [sflag:s11], $0x9000  }
0x1a9: {  	p6 =	por @p0 $0x1, $0x1;
	s20 =	sadd.s32 $0xFFFFFFFF, s20;
	[sflag:s11] =	ssyncset.done $0x0  }
0x1aa: {  	p5 =	por @!p3 p2, p2;
	s24 =	simm.s32 @!p4 $0x7;
	[sflag:s11] =	ssyncadd.s32 $0xFFFF7000  }
0x1ab: {  	p6 =	por @!p0 p5, p5;
	p5 =	sne.s32 s20, $0x0;
	_ =	swait.ge @!p4 [sflag:s24], $0x1400  }
.Ltmp0:
0x1ac: {  	[sflag:s24] =	ssyncset.done @!p4 $0x0;
	(pc) =	sbr.rel @p5 .LBB2_1-.Ltmp0, $4  }
0x1ad: {  	[sflag:s24] =	ssyncadd.s32 @!p4 $0xFFFFEC00;
	s24 =	simm.s32 @p6 $0x7  }
0x1ae: {  	_ =	swait.ge @p6 [sflag:s24], $0x1400  }
0x1af: {  	[sflag:s24] =	ssyncset.done @p6 $0x0  }
0x1b0: {  	[sflag:s24] =	ssyncadd.s32 @p6 $0xFFFFEC00  }
0x1b1: {  	_ =	sfence.sel $0x180000  }
0x1b2: {  	[bflag:$0x0] =	sbarrier.arrive $0xFFFF  }
0x1b3: {  	_ =	strace $0x90000047  }
0x1b4: {  	s0 =	stileid.u32;
	[bflag:$0x2] =	sbarrier.arrive $0xFFFF  }
0x1b5: {  	p0 =	sne.s32 s0, $0x0;
	s0 =	rddreg [dreg:$0x5]  }
0x1b6: {  	s0 =	sadd.s32 @!p0 $0x100000, s0  }
0x1b7: {  	[sflag:s0] =	ssyncadd.tile.s32 @!p0 $0x1;
	_ =	shalt  }
.Lfunc_end2:
_tile_overlayer_lowered:
.L_overlay_start_2:
0x1b8: {  	(tag) =	ssettag $0x2  }
0x1b9: {  	s0 =	rddreg [dreg:$0x0];
	s2 =	stileid.u32  }
0x1ba: {  	s1 =	rddreg [dreg:$0x1];
	p0 =	sne.s32 s2, $0x0  }
0x1bb: {  	s3 =	rddreg [dreg:$0x2];
	[bflag:$0x3] =	sbarrier.arrive $0xFFFF;
	s2 =	simm.s32 @!p0 $0x1C08  }
0x1bc: {  	[timem:s3], [sflag:s2] =	dma.local @!p0 [hbm:s0], s1  }
0x1bd: {  	s0 =	simm.s32 @!p0 $0x8  }
0x1be: {  	_ =	swait.ge @!p0 [sflag:s0], s1  }
0x1bf: {  	s1 =	ssub.s32 @!p0 $0x0, s1;
	[sflag:s0] =	ssyncset.done @!p0 $0x0  }
0x1c0: {  	[sflag:s0] =	ssyncadd.s32 @!p0 s1  }
0x1c1: {  	[bflag:$0x3] =	sbarrier.arrive $0xFFFF  }
0x1c2: {  	_ =	shalt  }

</sc_bundles>
